<compile_context>
chip_gen: v7x
topology: tpu7x:2x2x1
jax: 0.10.2.dev20260603
libtpu: 0.0.44.dev20260713+nightly
codegen_flags: <defaults>
</compile_context>

<pallas_src>
import functools

import jax
import jax.numpy as jnp
from jax import lax
from jax.experimental import pallas as pl
from jax.experimental.pallas import tpu as pltpu
from jax.experimental.pallas import tpu_sc as plsc

N = 16384
C = 1024
NC = 2
NS = 16
L = 16
NW = NC * NS
BPW = N // NW
CH = 16
NCH = BPW // CH
NBUF = 4

_mesh = plsc.VectorSubcoreMesh(core_axis_name="c", subcore_axis_name="s")


@functools.partial(
    pl.kernel,
    out_type=jax.ShapeDtypeStruct((N, C), jnp.float32),
    mesh=_mesh,
    compiler_params=pltpu.CompilerParams(needs_layout_passes=False),
    scratch_types=[
        pltpu.VMEM((C,), jnp.int32),
        pltpu.VMEM((BPW,), jnp.int32),
        pltpu.VMEM((NBUF, CH, C), jnp.float32),
        pltpu.SemaphoreType.DMA,
        pltpu.SemaphoreType.DMA,
        pltpu.SemaphoreType.DMA,
        pltpu.SemaphoreType.DMA,
        pltpu.SemaphoreType.DMA,
        pltpu.SemaphoreType.DMA,
        pltpu.SemaphoreType.DMA,
        pltpu.SemaphoreType.DMA,
    ],
)
def _encode(y_hbm, uniq_hbm, anc_hbm, out_hbm, uniq_v, idx_v, buf,
            g0, g1, g2, g3, s0, s1, s2, s3):
    wid = lax.axis_index("s") * NC + lax.axis_index("c")
    base = wid * BPW

    pltpu.sync_copy(uniq_hbm, uniq_v)
    pltpu.sync_copy(y_hbm.at[pl.ds(base, BPW)], idx_v)

    def _search(i, _):
        off = i * L
        y = idx_v[pl.ds(off, L)]

        def _step(_s, carry):
            lo, hi = carry
            mid = lax.shift_right_arithmetic(lo + hi, 1)
            u = plsc.load_gather(uniq_v, [mid])
            p = (u < y).astype(jnp.int32)
            lo = lo + p * (mid + 1 - lo)
            hi = hi - (1 - p) * (hi - mid)
            return lo, hi

        lo, _hi = lax.fori_loop(
            0, 11, _step,
            (jnp.zeros((L,), jnp.int32), jnp.full((L,), C, jnp.int32)))
        idx_v[pl.ds(off, L)] = lo
        return 0

    gsems = (g0, g1, g2, g3)
    ssems = (s0, s1, s2, s3)

    def _gather(g, b):
        src = anc_hbm.at[idx_v.at[pl.ds(g * CH, CH)]]
        return pltpu.make_async_copy(src, buf.at[b], gsems[b])

    def _scatter(g, b):
        dst = out_hbm.at[pl.ds(base + g * CH, CH)]
        return pltpu.make_async_copy(buf.at[b], dst, ssems[b])

    for b in range(NBUF - 1):
        _search(b, 0)
        _gather(b, b).start()

    def _slot(g, b):
        _gather(g, b).wait()
        _scatter(g, b).start()
        bn = (b + NBUF - 1) % NBUF
        gn = g + NBUF - 1

        @pl.when(g >= 1)
        def _():
            _scatter(g - 1, bn).wait()

        @pl.when(gn < NCH)
        def _():
            _search(gn, 0)
            _gather(gn, bn).start()

    def _outer(o, _):
        for b in range(NBUF):
            _slot(o * NBUF + b, b)
        return 0

    lax.fori_loop(0, NCH // NBUF, _outer, 0)
    _scatter(NCH - 1, (NCH - 1) % NBUF).wait()


def kernel(y_n, unique_cell_types, anc_matrix):
    return _encode(y_n, unique_cell_types, anc_matrix)

# --- scband reference (transcript-rebuilt; emitter-appended) ---
"""Pipeline reference for scband-encoded-targets-18330920419408 (READ-ONLY COPY).

The authoritative reference and input builder live on the scoring server;
editing this copy changes nothing except your own understanding.
"""

import jax, jax.numpy as jnp
import numpy as np

N = 16384  # batch of cells
C = 1024   # unique cell types
MAX_ANC = 8  # ancestors per cell type in the ontology


def setup_inputs(seed: int = 0) -> dict:
    key = jax.random.key(seed)
    k1, k2 = jax.random.split(key)
    # raw labels: each cell's type, drawn from the C known types
    y_n = jax.random.randint(k1, (N,), 0, C, dtype=jnp.int32)
    # sorted unique cell type values (stand-in for sorted unique cell-type codes)
    unique_cell_types = jnp.arange(C, dtype=jnp.int32)
    # target_ancestors_list materialized as a multi-hot ancestor matrix [C, C]:
    # row i has 1 at i (self) and at each ancestor of type i.
    anc_idx = jax.random.randint(k2, (C, MAX_ANC), 0, C, dtype=jnp.int32)
    anc_matrix = jnp.zeros((C, C), dtype=jnp.float32)
    anc_matrix = anc_matrix.at[jnp.arange(C)[:, None], anc_idx].set(1.0)
    anc_matrix = anc_matrix.at[jnp.arange(C), jnp.arange(C)].set(1.0)
    return {"y_n": y_n, "unique_cell_types": unique_cell_types, "anc_matrix": anc_matrix}


def reference(y_n, unique_cell_types, anc_matrix):
    # multilabel_flag = True branch:
    # indices = np.searchsorted(self.unique_cell_types_nparray, y_n)
    indices = jnp.searchsorted(unique_cell_types, y_n)
    # out_array[i, [target_index] + ancestors[target_index]] = 1
    # equivalently: gather precomputed multi-hot rows (self + ancestors)
    out = jnp.take(anc_matrix, indices, axis=0)
    return out

if __name__ == "__main__":
    import jax
    _d = setup_inputs()
    print(jax.jit(kernel)(*tuple(_d.values())))

</pallas_src>

<mosaic_0001>
#map = affine_map<(d0, d1) -> (0)>
#map1 = affine_map<(d0, d1) -> (0, 0)>
module attributes {stable_mosaic.version = 14 : i64} {
  func.func @_encode(%arg0: i32, %arg1: i32, %arg2: memref<16384xi32, #tpu.memory_space<hbm>>, %arg3: memref<1024xi32, #tpu.memory_space<hbm>>, %arg4: memref<1024x1024xf32, #tpu.memory_space<hbm>>, %arg5: memref<16384x1024xf32, #tpu.memory_space<hbm>>, %arg6: memref<1024xi32, #tpu.memory_space<vmem>>, %arg7: memref<512xi32, #tpu.memory_space<vmem>>, %arg8: memref<4x16x1024xf32, #tpu.memory_space<vmem>>, %arg9: memref<!tpu.dma_semaphore, #tpu.memory_space<semaphore_mem>>, %arg10: memref<!tpu.dma_semaphore, #tpu.memory_space<semaphore_mem>>, %arg11: memref<!tpu.dma_semaphore, #tpu.memory_space<semaphore_mem>>, %arg12: memref<!tpu.dma_semaphore, #tpu.memory_space<semaphore_mem>>, %arg13: memref<!tpu.dma_semaphore, #tpu.memory_space<semaphore_mem>>, %arg14: memref<!tpu.dma_semaphore, #tpu.memory_space<semaphore_mem>>, %arg15: memref<!tpu.dma_semaphore, #tpu.memory_space<semaphore_mem>>, %arg16: memref<!tpu.dma_semaphore, #tpu.memory_space<semaphore_mem>>) attributes {dimension_semantics = [#tpu.dimension_semantics<core_parallel>, #tpu.dimension_semantics<subcore_parallel>], iteration_bounds = array<i64: 2, 16>, scalar_prefetch = 0 : i64, scratch_operands = 11 : i64, tpu.core_type = #tpu.core_type<sc_vector_subcore>, window_params = [{transform_indices = #map}, {transform_indices = #map}, {transform_indices = #map1}, {transform_indices = #map1}]} {
    %mul3A = arith.constant 2 : i32
    %mul3A_0 = arith.muli %arg1, %mul3A : i32
    %add3A = arith.addi %mul3A_0, %arg0 : i32
    %mul3A_1 = arith.constant 512 : i32
    %mul3A_2 = arith.muli %add3A, %mul3A_1 : i32
    "tpu.region"() ({
      %run_scoped3A = tpu.sem_alloc : memref<!tpu.dma_semaphore, #tpu.memory_space<semaphore_mem>>
      tpu.enqueue_dma source(%arg3 : memref<1024xi32, #tpu.memory_space<hbm>>) target(%arg6 : memref<1024xi32, #tpu.memory_space<vmem>>) target_semaphore(%run_scoped3A : memref<!tpu.dma_semaphore, #tpu.memory_space<semaphore_mem>>)
      tpu.wait_dma2 semaphore(%run_scoped3A : memref<!tpu.dma_semaphore, #tpu.memory_space<semaphore_mem>>) src(%arg3 : memref<1024xi32, #tpu.memory_space<hbm>>) dst(%arg6 : memref<1024xi32, #tpu.memory_space<vmem>>)
      tpu.yield
    }) : () -> ()
    "tpu.region"() ({
      %run_scoped3A = tpu.sem_alloc : memref<!tpu.dma_semaphore, #tpu.memory_space<semaphore_mem>>
      %dma_start3A_91 = tpu.memref_slice %arg2[%mul3A_2] : memref<16384xi32, #tpu.memory_space<hbm>> -> memref<512xi32, #tpu.memory_space<hbm>>
      %dma_start3A_92 = tpu.memref_slice %arg2[%mul3A_2] : memref<16384xi32, #tpu.memory_space<hbm>> -> memref<512xi32, #tpu.memory_space<hbm>>
      tpu.enqueue_dma source(%dma_start3A_92 : memref<512xi32, #tpu.memory_space<hbm>>) target(%arg7 : memref<512xi32, #tpu.memory_space<vmem>>) target_semaphore(%run_scoped3A : memref<!tpu.dma_semaphore, #tpu.memory_space<semaphore_mem>>)
      %dma_wait3A_93 = tpu.memref_slice %arg2[%mul3A_2] : memref<16384xi32, #tpu.memory_space<hbm>> -> memref<512xi32, #tpu.memory_space<hbm>>
      %dma_wait3A_94 = tpu.memref_slice %arg2[%mul3A_2] : memref<16384xi32, #tpu.memory_space<hbm>> -> memref<512xi32, #tpu.memory_space<hbm>>
      tpu.wait_dma2 semaphore(%run_scoped3A : memref<!tpu.dma_semaphore, #tpu.memory_space<semaphore_mem>>) src(%dma_wait3A_94 : memref<512xi32, #tpu.memory_space<hbm>>) dst(%arg7 : memref<512xi32, #tpu.memory_space<vmem>>)
      tpu.yield
    }) : () -> ()
    %get3A = arith.constant 0 : index
    %get3A_3 = tpu.vector_load %arg7[%get3A] {strides = array<i32>} : memref<512xi32, #tpu.memory_space<vmem>>, vector<16xi32>,
    %broadcast_in_dim3A = arith.constant 0 : i32
    %broadcast_in_dim3A_4 = vector.broadcast %broadcast_in_dim3A : i32 to vector<16xi32>
    %broadcast_in_dim3A_5 = arith.constant 1024 : i32
    %broadcast_in_dim3A_6 = vector.broadcast %broadcast_in_dim3A_5 : i32 to vector<16xi32>
    %scan3A = arith.constant 0 : i32
    %scan3A_7 = arith.constant 11 : i32
    %scan3A_8 = arith.addi %scan3A, %scan3A_7 : i32
    %scan3A_9 = arith.constant 1 : i32
    %scan3A_10:2 = scf.for %scan3A_91 = %scan3A to %scan3A_8 step %scan3A_9 iter_args(%scan3A_92 = %broadcast_in_dim3A_4, %scan3A_93 = %broadcast_in_dim3A_6) -> (vector<16xi32>, vector<16xi32>)  : i32 {
      %add3A_94 = arith.addi %scan3A_92, %scan3A_93 : vector<16xi32>
      %shift_right_arithmetic3A = arith.constant 1 : i32
      %shift_right_arithmetic3A_95 = vector.broadcast %shift_right_arithmetic3A : i32 to vector<16xi32>
      %shift_right_arithmetic3A_96 = arith.shrsi %add3A_94, %shift_right_arithmetic3A_95 : vector<16xi32>
      %gather3A = tpu.vector_load_idx %arg6[%shift_right_arithmetic3A_96] : memref<1024xi32, #tpu.memory_space<vmem>>[vector<16xi32>], vector<16xi32>,
      %lt3A = arith.cmpi slt, %gather3A, %get3A_3 : vector<16xi32>
      %convert_element_type3A = arith.extui %lt3A : vector<16xi1> to vector<16xi32>
      %add3A_97 = arith.constant 1 : i32
      %add3A_98 = vector.broadcast %add3A_97 : i32 to vector<16xi32>
      %add3A_99 = arith.addi %shift_right_arithmetic3A_96, %add3A_98 : vector<16xi32>
      %sub3A = arith.subi %add3A_99, %scan3A_92 : vector<16xi32>
      %mul3A_100 = arith.muli %convert_element_type3A, %sub3A : vector<16xi32>
      %add3A_101 = arith.addi %scan3A_92, %mul3A_100 : vector<16xi32>
      %sub3A_102 = arith.constant 1 : i32
      %sub3A_103 = vector.broadcast %sub3A_102 : i32 to vector<16xi32>
      %sub3A_104 = arith.subi %sub3A_103, %convert_element_type3A : vector<16xi32>
      %sub3A_105 = arith.subi %scan3A_93, %shift_right_arithmetic3A_96 : vector<16xi32>
      %mul3A_106 = arith.muli %sub3A_104, %sub3A_105 : vector<16xi32>
      %sub3A_107 = arith.subi %scan3A_93, %mul3A_106 : vector<16xi32>
      scf.yield %add3A_101, %sub3A_107 : vector<16xi32>, vector<16xi32>
    }
    %scan3A_11 = arith.constant 11 : i32
    %swap3A = arith.constant 0 : index
    %swap3A_12 = tpu.vector_load %arg7[%swap3A] {strides = array<i32>} : memref<512xi32, #tpu.memory_space<vmem>>, vector<16xi32>,
    tpu.vector_store %arg7[%swap3A], %scan3A_10#0 {strides = array<i32>} : memref<512xi32, #tpu.memory_space<vmem>>, vector<16xi32>,
    %dma_start3A = arith.constant 0 : i32
    %dma_start3A_13 = arith.constant 0 : i32
    %dma_start3A_14 = arith.constant 0 : i32
    %dma_start3A_15 = tpu.memref_slice %arg8[%dma_start3A, %dma_start3A_13, %dma_start3A_14] : memref<4x16x1024xf32, #tpu.memory_space<vmem>> -> memref<1x16x1024xf32, #tpu.memory_space<vmem>>
    %dma_start3A_16 = tpu.memref_squeeze %dma_start3A_15 : memref<1x16x1024xf32, #tpu.memory_space<vmem>> -> memref<16x1024xf32, #tpu.memory_space<vmem>>
    %dma_start3A_17 = arith.constant 0 : i32
    %dma_start3A_18 = tpu.memref_slice %arg7[%dma_start3A_17] : memref<512xi32, #tpu.memory_space<vmem>> -> memref<16xi32, #tpu.memory_space<vmem>>
    %dma_start3A_19 = arith.constant 0 : i32
    %dma_start3A_20 = arith.constant 0 : i32
    %dma_start3A_21 = tpu.memref_slice %arg4[%dma_start3A_19, %dma_start3A_20] : memref<1024x1024xf32, #tpu.memory_space<hbm>> -> memref<1024x1024xf32, #tpu.memory_space<hbm>>
    tpu.enqueue_indirect_dma source(%dma_start3A_21 : memref<1024x1024xf32, #tpu.memory_space<hbm>>) target(%dma_start3A_16 : memref<16x1024xf32, #tpu.memory_space<vmem>>) offsets(%dma_start3A_18 : memref<16xi32, #tpu.memory_space<vmem>>) semaphore(%arg9 : memref<!tpu.dma_semaphore, #tpu.memory_space<semaphore_mem>>)
    %get3A_22 = arith.constant 16 : index
    %get3A_23 = tpu.vector_load %arg7[%get3A_22] {strides = array<i32>} : memref<512xi32, #tpu.memory_space<vmem>>, vector<16xi32>,
    %broadcast_in_dim3A_24 = arith.constant 0 : i32
    %broadcast_in_dim3A_25 = vector.broadcast %broadcast_in_dim3A_24 : i32 to vector<16xi32>
    %broadcast_in_dim3A_26 = arith.constant 1024 : i32
    %broadcast_in_dim3A_27 = vector.broadcast %broadcast_in_dim3A_26 : i32 to vector<16xi32>
    %scan3A_28 = arith.constant 0 : i32
    %scan3A_29 = arith.constant 11 : i32
    %scan3A_30 = arith.addi %scan3A_28, %scan3A_29 : i32
    %scan3A_31 = arith.constant 1 : i32
    %scan3A_32:2 = scf.for %scan3A_91 = %scan3A_28 to %scan3A_30 step %scan3A_31 iter_args(%scan3A_92 = %broadcast_in_dim3A_25, %scan3A_93 = %broadcast_in_dim3A_27) -> (vector<16xi32>, vector<16xi32>)  : i32 {
      %add3A_94 = arith.addi %scan3A_92, %scan3A_93 : vector<16xi32>
      %shift_right_arithmetic3A = arith.constant 1 : i32
      %shift_right_arithmetic3A_95 = vector.broadcast %shift_right_arithmetic3A : i32 to vector<16xi32>
      %shift_right_arithmetic3A_96 = arith.shrsi %add3A_94, %shift_right_arithmetic3A_95 : vector<16xi32>
      %gather3A = tpu.vector_load_idx %arg6[%shift_right_arithmetic3A_96] : memref<1024xi32, #tpu.memory_space<vmem>>[vector<16xi32>], vector<16xi32>,
      %lt3A = arith.cmpi slt, %gather3A, %get3A_23 : vector<16xi32>
      %convert_element_type3A = arith.extui %lt3A : vector<16xi1> to vector<16xi32>
      %add3A_97 = arith.constant 1 : i32
      %add3A_98 = vector.broadcast %add3A_97 : i32 to vector<16xi32>
      %add3A_99 = arith.addi %shift_right_arithmetic3A_96, %add3A_98 : vector<16xi32>
      %sub3A = arith.subi %add3A_99, %scan3A_92 : vector<16xi32>
      %mul3A_100 = arith.muli %convert_element_type3A, %sub3A : vector<16xi32>
      %add3A_101 = arith.addi %scan3A_92, %mul3A_100 : vector<16xi32>
      %sub3A_102 = arith.constant 1 : i32
      %sub3A_103 = vector.broadcast %sub3A_102 : i32 to vector<16xi32>
      %sub3A_104 = arith.subi %sub3A_103, %convert_element_type3A : vector<16xi32>
      %sub3A_105 = arith.subi %scan3A_93, %shift_right_arithmetic3A_96 : vector<16xi32>
      %mul3A_106 = arith.muli %sub3A_104, %sub3A_105 : vector<16xi32>
      %sub3A_107 = arith.subi %scan3A_93, %mul3A_106 : vector<16xi32>
      scf.yield %add3A_101, %sub3A_107 : vector<16xi32>, vector<16xi32>
    }
    %scan3A_33 = arith.constant 11 : i32
    %swap3A_34 = arith.constant 16 : index
    %swap3A_35 = tpu.vector_load %arg7[%swap3A_34] {strides = array<i32>} : memref<512xi32, #tpu.memory_space<vmem>>, vector<16xi32>,
    tpu.vector_store %arg7[%swap3A_34], %scan3A_32#0 {strides = array<i32>} : memref<512xi32, #tpu.memory_space<vmem>>, vector<16xi32>,
    %dma_start3A_36 = arith.constant 1 : i32
    %dma_start3A_37 = arith.constant 0 : i32
    %dma_start3A_38 = arith.constant 0 : i32
    %dma_start3A_39 = tpu.memref_slice %arg8[%dma_start3A_36, %dma_start3A_37, %dma_start3A_38] : memref<4x16x1024xf32, #tpu.memory_space<vmem>> -> memref<1x16x1024xf32, #tpu.memory_space<vmem>>
    %dma_start3A_40 = tpu.memref_squeeze %dma_start3A_39 : memref<1x16x1024xf32, #tpu.memory_space<vmem>> -> memref<16x1024xf32, #tpu.memory_space<vmem>>
    %dma_start3A_41 = arith.constant 16 : i32
    %dma_start3A_42 = tpu.memref_slice %arg7[%dma_start3A_41] : memref<512xi32, #tpu.memory_space<vmem>> -> memref<16xi32, #tpu.memory_space<vmem>>
    %dma_start3A_43 = arith.constant 0 : i32
    %dma_start3A_44 = arith.constant 0 : i32
    %dma_start3A_45 = tpu.memref_slice %arg4[%dma_start3A_43, %dma_start3A_44] : memref<1024x1024xf32, #tpu.memory_space<hbm>> -> memref<1024x1024xf32, #tpu.memory_space<hbm>>
    tpu.enqueue_indirect_dma source(%dma_start3A_45 : memref<1024x1024xf32, #tpu.memory_space<hbm>>) target(%dma_start3A_40 : memref<16x1024xf32, #tpu.memory_space<vmem>>) offsets(%dma_start3A_42 : memref<16xi32, #tpu.memory_space<vmem>>) semaphore(%arg10 : memref<!tpu.dma_semaphore, #tpu.memory_space<semaphore_mem>>)
    %get3A_46 = arith.constant 32 : index
    %get3A_47 = tpu.vector_load %arg7[%get3A_46] {strides = array<i32>} : memref<512xi32, #tpu.memory_space<vmem>>, vector<16xi32>,
    %broadcast_in_dim3A_48 = arith.constant 0 : i32
    %broadcast_in_dim3A_49 = vector.broadcast %broadcast_in_dim3A_48 : i32 to vector<16xi32>
    %broadcast_in_dim3A_50 = arith.constant 1024 : i32
    %broadcast_in_dim3A_51 = vector.broadcast %broadcast_in_dim3A_50 : i32 to vector<16xi32>
    %scan3A_52 = arith.constant 0 : i32
    %scan3A_53 = arith.constant 11 : i32
    %scan3A_54 = arith.addi %scan3A_52, %scan3A_53 : i32
    %scan3A_55 = arith.constant 1 : i32
    %scan3A_56:2 = scf.for %scan3A_91 = %scan3A_52 to %scan3A_54 step %scan3A_55 iter_args(%scan3A_92 = %broadcast_in_dim3A_49, %scan3A_93 = %broadcast_in_dim3A_51) -> (vector<16xi32>, vector<16xi32>)  : i32 {
      %add3A_94 = arith.addi %scan3A_92, %scan3A_93 : vector<16xi32>
      %shift_right_arithmetic3A = arith.constant 1 : i32
      %shift_right_arithmetic3A_95 = vector.broadcast %shift_right_arithmetic3A : i32 to vector<16xi32>
      %shift_right_arithmetic3A_96 = arith.shrsi %add3A_94, %shift_right_arithmetic3A_95 : vector<16xi32>
      %gather3A = tpu.vector_load_idx %arg6[%shift_right_arithmetic3A_96] : memref<1024xi32, #tpu.memory_space<vmem>>[vector<16xi32>], vector<16xi32>,
      %lt3A = arith.cmpi slt, %gather3A, %get3A_47 : vector<16xi32>
      %convert_element_type3A = arith.extui %lt3A : vector<16xi1> to vector<16xi32>
      %add3A_97 = arith.constant 1 : i32
      %add3A_98 = vector.broadcast %add3A_97 : i32 to vector<16xi32>
      %add3A_99 = arith.addi %shift_right_arithmetic3A_96, %add3A_98 : vector<16xi32>
      %sub3A = arith.subi %add3A_99, %scan3A_92 : vector<16xi32>
      %mul3A_100 = arith.muli %convert_element_type3A, %sub3A : vector<16xi32>
      %add3A_101 = arith.addi %scan3A_92, %mul3A_100 : vector<16xi32>
      %sub3A_102 = arith.constant 1 : i32
      %sub3A_103 = vector.broadcast %sub3A_102 : i32 to vector<16xi32>
      %sub3A_104 = arith.subi %sub3A_103, %convert_element_type3A : vector<16xi32>
      %sub3A_105 = arith.subi %scan3A_93, %shift_right_arithmetic3A_96 : vector<16xi32>
      %mul3A_106 = arith.muli %sub3A_104, %sub3A_105 : vector<16xi32>
      %sub3A_107 = arith.subi %scan3A_93, %mul3A_106 : vector<16xi32>
      scf.yield %add3A_101, %sub3A_107 : vector<16xi32>, vector<16xi32>
    }
    %scan3A_57 = arith.constant 11 : i32
    %swap3A_58 = arith.constant 32 : index
    %swap3A_59 = tpu.vector_load %arg7[%swap3A_58] {strides = array<i32>} : memref<512xi32, #tpu.memory_space<vmem>>, vector<16xi32>,
    tpu.vector_store %arg7[%swap3A_58], %scan3A_56#0 {strides = array<i32>} : memref<512xi32, #tpu.memory_space<vmem>>, vector<16xi32>,
    %dma_start3A_60 = arith.constant 2 : i32
    %dma_start3A_61 = arith.constant 0 : i32
    %dma_start3A_62 = arith.constant 0 : i32
    %dma_start3A_63 = tpu.memref_slice %arg8[%dma_start3A_60, %dma_start3A_61, %dma_start3A_62] : memref<4x16x1024xf32, #tpu.memory_space<vmem>> -> memref<1x16x1024xf32, #tpu.memory_space<vmem>>
    %dma_start3A_64 = tpu.memref_squeeze %dma_start3A_63 : memref<1x16x1024xf32, #tpu.memory_space<vmem>> -> memref<16x1024xf32, #tpu.memory_space<vmem>>
    %dma_start3A_65 = arith.constant 32 : i32
    %dma_start3A_66 = tpu.memref_slice %arg7[%dma_start3A_65] : memref<512xi32, #tpu.memory_space<vmem>> -> memref<16xi32, #tpu.memory_space<vmem>>
    %dma_start3A_67 = arith.constant 0 : i32
    %dma_start3A_68 = arith.constant 0 : i32
    %dma_start3A_69 = tpu.memref_slice %arg4[%dma_start3A_67, %dma_start3A_68] : memref<1024x1024xf32, #tpu.memory_space<hbm>> -> memref<1024x1024xf32, #tpu.memory_space<hbm>>
    tpu.enqueue_indirect_dma source(%dma_start3A_69 : memref<1024x1024xf32, #tpu.memory_space<hbm>>) target(%dma_start3A_64 : memref<16x1024xf32, #tpu.memory_space<vmem>>) offsets(%dma_start3A_66 : memref<16xi32, #tpu.memory_space<vmem>>) semaphore(%arg11 : memref<!tpu.dma_semaphore, #tpu.memory_space<semaphore_mem>>)
    %scan3A_70 = arith.constant 0 : i32
    %scan3A_71 = arith.constant 0 : i32
    %scan3A_72 = arith.constant 8 : i32
    %scan3A_73 = arith.addi %scan3A_71, %scan3A_72 : i32
    %scan3A_74 = arith.constant 1 : i32
    %scan3A_75 = scf.for %scan3A_91 = %scan3A_71 to %scan3A_73 step %scan3A_74 iter_args(%scan3A_92 = %scan3A_70) -> (i32)  : i32 {
      %mul3A_93 = arith.constant 4 : i32
      %mul3A_94 = arith.muli %scan3A_91, %mul3A_93 : i32
      %add3A_95 = arith.constant 0 : i32
      %add3A_96 = arith.addi %mul3A_94, %add3A_95 : i32
      %mul3A_97 = arith.constant 16 : i32
      %mul3A_98 = arith.muli %add3A_96, %mul3A_97 : i32
      %dma_wait3A_99 = arith.constant 0 : i32
      %dma_wait3A_100 = arith.constant 0 : i32
      %dma_wait3A_101 = arith.constant 0 : i32
      %dma_wait3A_102 = tpu.memref_slice %arg8[%dma_wait3A_99, %dma_wait3A_100, %dma_wait3A_101] : memref<4x16x1024xf32, #tpu.memory_space<vmem>> -> memref<1x16x1024xf32, #tpu.memory_space<vmem>>
      %dma_wait3A_103 = tpu.memref_squeeze %dma_wait3A_102 : memref<1x16x1024xf32, #tpu.memory_space<vmem>> -> memref<16x1024xf32, #tpu.memory_space<vmem>>
      %dma_wait3A_104 = tpu.memref_slice %arg7[%mul3A_98] : memref<512xi32, #tpu.memory_space<vmem>> -> memref<16xi32, #tpu.memory_space<vmem>>
      %dma_wait3A_105 = arith.constant 0 : i32
      %dma_wait3A_106 = arith.constant 0 : i32
      %dma_wait3A_107 = tpu.memref_slice %arg4[%dma_wait3A_105, %dma_wait3A_106] : memref<1024x1024xf32, #tpu.memory_space<hbm>> -> memref<1024x1024xf32, #tpu.memory_space<hbm>>
      tpu.wait_indirect_dma semaphore(%arg9 : memref<!tpu.dma_semaphore, #tpu.memory_space<semaphore_mem>>) src(%dma_wait3A_107 : memref<1024x1024xf32, #tpu.memory_space<hbm>>) dst(%dma_wait3A_103 : memref<16x1024xf32, #tpu.memory_space<vmem>>)
      %mul3A_108 = arith.constant 16 : i32
      %mul3A_109 = arith.muli %add3A_96, %mul3A_108 : i32
      %add3A_110 = arith.addi %mul3A_2, %mul3A_109 : i32
      %dma_start3A_111 = arith.constant 0 : i32
      %dma_start3A_112 = arith.constant 0 : i32
      %dma_start3A_113 = arith.constant 0 : i32
      %dma_start3A_114 = tpu.memref_slice %arg8[%dma_start3A_111, %dma_start3A_112, %dma_start3A_113] : memref<4x16x1024xf32, #tpu.memory_space<vmem>> -> memref<1x16x1024xf32, #tpu.memory_space<vmem>>
      %dma_start3A_115 = tpu.memref_squeeze %dma_start3A_114 : memref<1x16x1024xf32, #tpu.memory_space<vmem>> -> memref<16x1024xf32, #tpu.memory_space<vmem>>
      %dma_start3A_116 = arith.constant 0 : i32
      %dma_start3A_117 = tpu.memref_slice %arg5[%add3A_110, %dma_start3A_116] : memref<16384x1024xf32, #tpu.memory_space<hbm>> -> memref<16x1024xf32, #tpu.memory_space<hbm>>
      %dma_start3A_118 = arith.constant 0 : i32
      %dma_start3A_119 = tpu.memref_slice %arg5[%add3A_110, %dma_start3A_118] : memref<16384x1024xf32, #tpu.memory_space<hbm>> -> memref<16x1024xf32, #tpu.memory_space<hbm>>
      %dma_start3A_120 = arith.constant 0 : i32
      %dma_start3A_121 = arith.constant 0 : i32
      %dma_start3A_122 = tpu.memref_slice %arg8[%dma_start3A_111, %dma_start3A_120, %dma_start3A_121] : memref<4x16x1024xf32, #tpu.memory_space<vmem>> -> memref<1x16x1024xf32, #tpu.memory_space<vmem>>
      %dma_start3A_123 = tpu.memref_squeeze %dma_start3A_122 : memref<1x16x1024xf32, #tpu.memory_space<vmem>> -> memref<16x1024xf32, #tpu.memory_space<vmem>>
      tpu.enqueue_dma source(%dma_start3A_123 : memref<16x1024xf32, #tpu.memory_space<vmem>>) target(%dma_start3A_119 : memref<16x1024xf32, #tpu.memory_space<hbm>>) target_semaphore(%arg13 : memref<!tpu.dma_semaphore, #tpu.memory_space<semaphore_mem>>)
      %add3A_124 = arith.constant 4 : i32
      %add3A_125 = arith.addi %add3A_96, %add3A_124 : i32
      %sub3A = arith.constant 1 : i32
      %sub3A_126 = arith.subi %add3A_125, %sub3A : i32
      %ge3A = arith.constant 1 : i32
      %ge3A_127 = arith.cmpi sge, %add3A_96, %ge3A : i32
      %convert_element_type3A = arith.extui %ge3A_127 : i1 to i32
      %cond3A = arith.constant 0 : i32
      %cond3A_128 = arith.cmpi ne, %convert_element_type3A, %cond3A : i32
      scf.if %cond3A_128 {
        %sub3A_269 = arith.constant 1 : i32
        %sub3A_270 = arith.subi %add3A_96, %sub3A_269 : i32
        %mul3A_271 = arith.constant 16 : i32
        %mul3A_272 = arith.muli %sub3A_270, %mul3A_271 : i32
        %add3A_273 = arith.addi %mul3A_2, %mul3A_272 : i32
        %dma_wait3A_274 = arith.constant 3 : i32
        %dma_wait3A_275 = arith.constant 0 : i32
        %dma_wait3A_276 = arith.constant 0 : i32
        %dma_wait3A_277 = tpu.memref_slice %arg8[%dma_wait3A_274, %dma_wait3A_275, %dma_wait3A_276] : memref<4x16x1024xf32, #tpu.memory_space<vmem>> -> memref<1x16x1024xf32, #tpu.memory_space<vmem>>
        %dma_wait3A_278 = tpu.memref_squeeze %dma_wait3A_277 : memref<1x16x1024xf32, #tpu.memory_space<vmem>> -> memref<16x1024xf32, #tpu.memory_space<vmem>>
        %dma_wait3A_279 = arith.constant 0 : i32
        %dma_wait3A_280 = tpu.memref_slice %arg5[%add3A_273, %dma_wait3A_279] : memref<16384x1024xf32, #tpu.memory_space<hbm>> -> memref<16x1024xf32, #tpu.memory_space<hbm>>
        %dma_wait3A_281 = arith.constant 0 : i32
        %dma_wait3A_282 = tpu.memref_slice %arg5[%add3A_273, %dma_wait3A_281] : memref<16384x1024xf32, #tpu.memory_space<hbm>> -> memref<16x1024xf32, #tpu.memory_space<hbm>>
        %dma_wait3A_283 = arith.constant 0 : i32
        %dma_wait3A_284 = arith.constant 0 : i32
        %dma_wait3A_285 = tpu.memref_slice %arg8[%dma_wait3A_274, %dma_wait3A_283, %dma_wait3A_284] : memref<4x16x1024xf32, #tpu.memory_space<vmem>> -> memref<1x16x1024xf32, #tpu.memory_space<vmem>>
        %dma_wait3A_286 = tpu.memref_squeeze %dma_wait3A_285 : memref<1x16x1024xf32, #tpu.memory_space<vmem>> -> memref<16x1024xf32, #tpu.memory_space<vmem>>
        tpu.wait_dma2 semaphore(%arg16 : memref<!tpu.dma_semaphore, #tpu.memory_space<semaphore_mem>>) src(%dma_wait3A_286 : memref<16x1024xf32, #tpu.memory_space<vmem>>) dst(%dma_wait3A_282 : memref<16x1024xf32, #tpu.memory_space<hbm>>)
      } else {
      }
      %lt3A = arith.constant 32 : i32
      %lt3A_129 = arith.cmpi slt, %sub3A_126, %lt3A : i32
      %convert_element_type3A_130 = arith.extui %lt3A_129 : i1 to i32
      %cond3A_131 = arith.constant 0 : i32
      %cond3A_132 = arith.cmpi ne, %convert_element_type3A_130, %cond3A_131 : i32
      scf.if %cond3A_132 {
        %mul3A_269 = arith.constant 16 : i32
        %mul3A_270 = arith.muli %sub3A_126, %mul3A_269 : i32
        %get3A_271 = arith.index_cast %mul3A_270 : i32 to index
        %get3A_272 = tpu.vector_load %arg7[%get3A_271] {strides = array<i32>} : memref<512xi32, #tpu.memory_space<vmem>>, vector<16xi32>,
        %broadcast_in_dim3A_273 = arith.constant 0 : i32
        %broadcast_in_dim3A_274 = vector.broadcast %broadcast_in_dim3A_273 : i32 to vector<16xi32>
        %broadcast_in_dim3A_275 = arith.constant 1024 : i32
        %broadcast_in_dim3A_276 = vector.broadcast %broadcast_in_dim3A_275 : i32 to vector<16xi32>
        %scan3A_277 = arith.constant 0 : i32
        %scan3A_278 = arith.constant 11 : i32
        %scan3A_279 = arith.addi %scan3A_277, %scan3A_278 : i32
        %scan3A_280 = arith.constant 1 : i32
        %scan3A_281:2 = scf.for %scan3A_296 = %scan3A_277 to %scan3A_279 step %scan3A_280 iter_args(%scan3A_297 = %broadcast_in_dim3A_274, %scan3A_298 = %broadcast_in_dim3A_276) -> (vector<16xi32>, vector<16xi32>)  : i32 {
          %add3A_299 = arith.addi %scan3A_297, %scan3A_298 : vector<16xi32>
          %shift_right_arithmetic3A = arith.constant 1 : i32
          %shift_right_arithmetic3A_300 = vector.broadcast %shift_right_arithmetic3A : i32 to vector<16xi32>
          %shift_right_arithmetic3A_301 = arith.shrsi %add3A_299, %shift_right_arithmetic3A_300 : vector<16xi32>
          %gather3A = tpu.vector_load_idx %arg6[%shift_right_arithmetic3A_301] : memref<1024xi32, #tpu.memory_space<vmem>>[vector<16xi32>], vector<16xi32>,
          %lt3A_302 = arith.cmpi slt, %gather3A, %get3A_272 : vector<16xi32>
          %convert_element_type3A_303 = arith.extui %lt3A_302 : vector<16xi1> to vector<16xi32>
          %add3A_304 = arith.constant 1 : i32
          %add3A_305 = vector.broadcast %add3A_304 : i32 to vector<16xi32>
          %add3A_306 = arith.addi %shift_right_arithmetic3A_301, %add3A_305 : vector<16xi32>
          %sub3A_307 = arith.subi %add3A_306, %scan3A_297 : vector<16xi32>
          %mul3A_308 = arith.muli %convert_element_type3A_303, %sub3A_307 : vector<16xi32>
          %add3A_309 = arith.addi %scan3A_297, %mul3A_308 : vector<16xi32>
          %sub3A_310 = arith.constant 1 : i32
          %sub3A_311 = vector.broadcast %sub3A_310 : i32 to vector<16xi32>
          %sub3A_312 = arith.subi %sub3A_311, %convert_element_type3A_303 : vector<16xi32>
          %sub3A_313 = arith.subi %scan3A_298, %shift_right_arithmetic3A_301 : vector<16xi32>
          %mul3A_314 = arith.muli %sub3A_312, %sub3A_313 : vector<16xi32>
          %sub3A_315 = arith.subi %scan3A_298, %mul3A_314 : vector<16xi32>
          scf.yield %add3A_309, %sub3A_315 : vector<16xi32>, vector<16xi32>
        }
        %scan3A_282 = arith.constant 11 : i32
        %swap3A_283 = arith.index_cast %mul3A_270 : i32 to index
        %swap3A_284 = tpu.vector_load %arg7[%swap3A_283] {strides = array<i32>} : memref<512xi32, #tpu.memory_space<vmem>>, vector<16xi32>,
        tpu.vector_store %arg7[%swap3A_283], %scan3A_281#0 {strides = array<i32>} : memref<512xi32, #tpu.memory_space<vmem>>, vector<16xi32>,
        %mul3A_285 = arith.constant 16 : i32
        %mul3A_286 = arith.muli %sub3A_126, %mul3A_285 : i32
        %dma_start3A_287 = arith.constant 3 : i32
        %dma_start3A_288 = arith.constant 0 : i32
        %dma_start3A_289 = arith.constant 0 : i32
        %dma_start3A_290 = tpu.memref_slice %arg8[%dma_start3A_287, %dma_start3A_288, %dma_start3A_289] : memref<4x16x1024xf32, #tpu.memory_space<vmem>> -> memref<1x16x1024xf32, #tpu.memory_space<vmem>>
        %dma_start3A_291 = tpu.memref_squeeze %dma_start3A_290 : memref<1x16x1024xf32, #tpu.memory_space<vmem>> -> memref<16x1024xf32, #tpu.memory_space<vmem>>
        %dma_start3A_292 = tpu.memref_slice %arg7[%mul3A_286] : memref<512xi32, #tpu.memory_space<vmem>> -> memref<16xi32, #tpu.memory_space<vmem>>
        %dma_start3A_293 = arith.constant 0 : i32
        %dma_start3A_294 = arith.constant 0 : i32
        %dma_start3A_295 = tpu.memref_slice %arg4[%dma_start3A_293, %dma_start3A_294] : memref<1024x1024xf32, #tpu.memory_space<hbm>> -> memref<1024x1024xf32, #tpu.memory_space<hbm>>
        tpu.enqueue_indirect_dma source(%dma_start3A_295 : memref<1024x1024xf32, #tpu.memory_space<hbm>>) target(%dma_start3A_291 : memref<16x1024xf32, #tpu.memory_space<vmem>>) offsets(%dma_start3A_292 : memref<16xi32, #tpu.memory_space<vmem>>) semaphore(%arg12 : memref<!tpu.dma_semaphore, #tpu.memory_space<semaphore_mem>>)
      } else {
      }
      %mul3A_133 = arith.constant 4 : i32
      %mul3A_134 = arith.muli %scan3A_91, %mul3A_133 : i32
      %add3A_135 = arith.constant 1 : i32
      %add3A_136 = arith.addi %mul3A_134, %add3A_135 : i32
      %mul3A_137 = arith.constant 16 : i32
      %mul3A_138 = arith.muli %add3A_136, %mul3A_137 : i32
      %dma_wait3A_139 = arith.constant 1 : i32
      %dma_wait3A_140 = arith.constant 0 : i32
      %dma_wait3A_141 = arith.constant 0 : i32
      %dma_wait3A_142 = tpu.memref_slice %arg8[%dma_wait3A_139, %dma_wait3A_140, %dma_wait3A_141] : memref<4x16x1024xf32, #tpu.memory_space<vmem>> -> memref<1x16x1024xf32, #tpu.memory_space<vmem>>
      %dma_wait3A_143 = tpu.memref_squeeze %dma_wait3A_142 : memref<1x16x1024xf32, #tpu.memory_space<vmem>> -> memref<16x1024xf32, #tpu.memory_space<vmem>>
      %dma_wait3A_144 = tpu.memref_slice %arg7[%mul3A_138] : memref<512xi32, #tpu.memory_space<vmem>> -> memref<16xi32, #tpu.memory_space<vmem>>
      %dma_wait3A_145 = arith.constant 0 : i32
      %dma_wait3A_146 = arith.constant 0 : i32
      %dma_wait3A_147 = tpu.memref_slice %arg4[%dma_wait3A_145, %dma_wait3A_146] : memref<1024x1024xf32, #tpu.memory_space<hbm>> -> memref<1024x1024xf32, #tpu.memory_space<hbm>>
      tpu.wait_indirect_dma semaphore(%arg10 : memref<!tpu.dma_semaphore, #tpu.memory_space<semaphore_mem>>) src(%dma_wait3A_147 : memref<1024x1024xf32, #tpu.memory_space<hbm>>) dst(%dma_wait3A_143 : memref<16x1024xf32, #tpu.memory_space<vmem>>)
      %mul3A_148 = arith.constant 16 : i32
      %mul3A_149 = arith.muli %add3A_136, %mul3A_148 : i32
      %add3A_150 = arith.addi %mul3A_2, %mul3A_149 : i32
      %dma_start3A_151 = arith.constant 1 : i32
      %dma_start3A_152 = arith.constant 0 : i32
      %dma_start3A_153 = arith.constant 0 : i32
      %dma_start3A_154 = tpu.memref_slice %arg8[%dma_start3A_151, %dma_start3A_152, %dma_start3A_153] : memref<4x16x1024xf32, #tpu.memory_space<vmem>> -> memref<1x16x1024xf32, #tpu.memory_space<vmem>>
      %dma_start3A_155 = tpu.memref_squeeze %dma_start3A_154 : memref<1x16x1024xf32, #tpu.memory_space<vmem>> -> memref<16x1024xf32, #tpu.memory_space<vmem>>
      %dma_start3A_156 = arith.constant 0 : i32
      %dma_start3A_157 = tpu.memref_slice %arg5[%add3A_150, %dma_start3A_156] : memref<16384x1024xf32, #tpu.memory_space<hbm>> -> memref<16x1024xf32, #tpu.memory_space<hbm>>
      %dma_start3A_158 = arith.constant 0 : i32
      %dma_start3A_159 = tpu.memref_slice %arg5[%add3A_150, %dma_start3A_158] : memref<16384x1024xf32, #tpu.memory_space<hbm>> -> memref<16x1024xf32, #tpu.memory_space<hbm>>
      %dma_start3A_160 = arith.constant 0 : i32
      %dma_start3A_161 = arith.constant 0 : i32
      %dma_start3A_162 = tpu.memref_slice %arg8[%dma_start3A_151, %dma_start3A_160, %dma_start3A_161] : memref<4x16x1024xf32, #tpu.memory_space<vmem>> -> memref<1x16x1024xf32, #tpu.memory_space<vmem>>
      %dma_start3A_163 = tpu.memref_squeeze %dma_start3A_162 : memref<1x16x1024xf32, #tpu.memory_space<vmem>> -> memref<16x1024xf32, #tpu.memory_space<vmem>>
      tpu.enqueue_dma source(%dma_start3A_163 : memref<16x1024xf32, #tpu.memory_space<vmem>>) target(%dma_start3A_159 : memref<16x1024xf32, #tpu.memory_space<hbm>>) target_semaphore(%arg14 : memref<!tpu.dma_semaphore, #tpu.memory_space<semaphore_mem>>)
      %add3A_164 = arith.constant 4 : i32
      %add3A_165 = arith.addi %add3A_136, %add3A_164 : i32
      %sub3A_166 = arith.constant 1 : i32
      %sub3A_167 = arith.subi %add3A_165, %sub3A_166 : i32
      %ge3A_168 = arith.constant 1 : i32
      %ge3A_169 = arith.cmpi sge, %add3A_136, %ge3A_168 : i32
      %convert_element_type3A_170 = arith.extui %ge3A_169 : i1 to i32
      %cond3A_171 = arith.constant 0 : i32
      %cond3A_172 = arith.cmpi ne, %convert_element_type3A_170, %cond3A_171 : i32
      scf.if %cond3A_172 {
        %sub3A_269 = arith.constant 1 : i32
        %sub3A_270 = arith.subi %add3A_136, %sub3A_269 : i32
        %mul3A_271 = arith.constant 16 : i32
        %mul3A_272 = arith.muli %sub3A_270, %mul3A_271 : i32
        %add3A_273 = arith.addi %mul3A_2, %mul3A_272 : i32
        %dma_wait3A_274 = arith.constant 0 : i32
        %dma_wait3A_275 = arith.constant 0 : i32
        %dma_wait3A_276 = arith.constant 0 : i32
        %dma_wait3A_277 = tpu.memref_slice %arg8[%dma_wait3A_274, %dma_wait3A_275, %dma_wait3A_276] : memref<4x16x1024xf32, #tpu.memory_space<vmem>> -> memref<1x16x1024xf32, #tpu.memory_space<vmem>>
        %dma_wait3A_278 = tpu.memref_squeeze %dma_wait3A_277 : memref<1x16x1024xf32, #tpu.memory_space<vmem>> -> memref<16x1024xf32, #tpu.memory_space<vmem>>
        %dma_wait3A_279 = arith.constant 0 : i32
        %dma_wait3A_280 = tpu.memref_slice %arg5[%add3A_273, %dma_wait3A_279] : memref<16384x1024xf32, #tpu.memory_space<hbm>> -> memref<16x1024xf32, #tpu.memory_space<hbm>>
        %dma_wait3A_281 = arith.constant 0 : i32
        %dma_wait3A_282 = tpu.memref_slice %arg5[%add3A_273, %dma_wait3A_281] : memref<16384x1024xf32, #tpu.memory_space<hbm>> -> memref<16x1024xf32, #tpu.memory_space<hbm>>
        %dma_wait3A_283 = arith.constant 0 : i32
        %dma_wait3A_284 = arith.constant 0 : i32
        %dma_wait3A_285 = tpu.memref_slice %arg8[%dma_wait3A_274, %dma_wait3A_283, %dma_wait3A_284] : memref<4x16x1024xf32, #tpu.memory_space<vmem>> -> memref<1x16x1024xf32, #tpu.memory_space<vmem>>
        %dma_wait3A_286 = tpu.memref_squeeze %dma_wait3A_285 : memref<1x16x1024xf32, #tpu.memory_space<vmem>> -> memref<16x1024xf32, #tpu.memory_space<vmem>>
        tpu.wait_dma2 semaphore(%arg13 : memref<!tpu.dma_semaphore, #tpu.memory_space<semaphore_mem>>) src(%dma_wait3A_286 : memref<16x1024xf32, #tpu.memory_space<vmem>>) dst(%dma_wait3A_282 : memref<16x1024xf32, #tpu.memory_space<hbm>>)
      } else {
      }
      %lt3A_173 = arith.constant 32 : i32
      %lt3A_174 = arith.cmpi slt, %sub3A_167, %lt3A_173 : i32
      %convert_element_type3A_175 = arith.extui %lt3A_174 : i1 to i32
      %cond3A_176 = arith.constant 0 : i32
      %cond3A_177 = arith.cmpi ne, %convert_element_type3A_175, %cond3A_176 : i32
      scf.if %cond3A_177 {
        %mul3A_269 = arith.constant 16 : i32
        %mul3A_270 = arith.muli %sub3A_167, %mul3A_269 : i32
        %get3A_271 = arith.index_cast %mul3A_270 : i32 to index
        %get3A_272 = tpu.vector_load %arg7[%get3A_271] {strides = array<i32>} : memref<512xi32, #tpu.memory_space<vmem>>, vector<16xi32>,
        %broadcast_in_dim3A_273 = arith.constant 0 : i32
        %broadcast_in_dim3A_274 = vector.broadcast %broadcast_in_dim3A_273 : i32 to vector<16xi32>
        %broadcast_in_dim3A_275 = arith.constant 1024 : i32
        %broadcast_in_dim3A_276 = vector.broadcast %broadcast_in_dim3A_275 : i32 to vector<16xi32>
        %scan3A_277 = arith.constant 0 : i32
        %scan3A_278 = arith.constant 11 : i32
        %scan3A_279 = arith.addi %scan3A_277, %scan3A_278 : i32
        %scan3A_280 = arith.constant 1 : i32
        %scan3A_281:2 = scf.for %scan3A_296 = %scan3A_277 to %scan3A_279 step %scan3A_280 iter_args(%scan3A_297 = %broadcast_in_dim3A_274, %scan3A_298 = %broadcast_in_dim3A_276) -> (vector<16xi32>, vector<16xi32>)  : i32 {
          %add3A_299 = arith.addi %scan3A_297, %scan3A_298 : vector<16xi32>
          %shift_right_arithmetic3A = arith.constant 1 : i32
          %shift_right_arithmetic3A_300 = vector.broadcast %shift_right_arithmetic3A : i32 to vector<16xi32>
          %shift_right_arithmetic3A_301 = arith.shrsi %add3A_299, %shift_right_arithmetic3A_300 : vector<16xi32>
          %gather3A = tpu.vector_load_idx %arg6[%shift_right_arithmetic3A_301] : memref<1024xi32, #tpu.memory_space<vmem>>[vector<16xi32>], vector<16xi32>,
          %lt3A_302 = arith.cmpi slt, %gather3A, %get3A_272 : vector<16xi32>
          %convert_element_type3A_303 = arith.extui %lt3A_302 : vector<16xi1> to vector<16xi32>
          %add3A_304 = arith.constant 1 : i32
          %add3A_305 = vector.broadcast %add3A_304 : i32 to vector<16xi32>
          %add3A_306 = arith.addi %shift_right_arithmetic3A_301, %add3A_305 : vector<16xi32>
          %sub3A_307 = arith.subi %add3A_306, %scan3A_297 : vector<16xi32>
          %mul3A_308 = arith.muli %convert_element_type3A_303, %sub3A_307 : vector<16xi32>
          %add3A_309 = arith.addi %scan3A_297, %mul3A_308 : vector<16xi32>
          %sub3A_310 = arith.constant 1 : i32
          %sub3A_311 = vector.broadcast %sub3A_310 : i32 to vector<16xi32>
          %sub3A_312 = arith.subi %sub3A_311, %convert_element_type3A_303 : vector<16xi32>
          %sub3A_313 = arith.subi %scan3A_298, %shift_right_arithmetic3A_301 : vector<16xi32>
          %mul3A_314 = arith.muli %sub3A_312, %sub3A_313 : vector<16xi32>
          %sub3A_315 = arith.subi %scan3A_298, %mul3A_314 : vector<16xi32>
          scf.yield %add3A_309, %sub3A_315 : vector<16xi32>, vector<16xi32>
        }
        %scan3A_282 = arith.constant 11 : i32
        %swap3A_283 = arith.index_cast %mul3A_270 : i32 to index
        %swap3A_284 = tpu.vector_load %arg7[%swap3A_283] {strides = array<i32>} : memref<512xi32, #tpu.memory_space<vmem>>, vector<16xi32>,
        tpu.vector_store %arg7[%swap3A_283], %scan3A_281#0 {strides = array<i32>} : memref<512xi32, #tpu.memory_space<vmem>>, vector<16xi32>,
        %mul3A_285 = arith.constant 16 : i32
        %mul3A_286 = arith.muli %sub3A_167, %mul3A_285 : i32
        %dma_start3A_287 = arith.constant 0 : i32
        %dma_start3A_288 = arith.constant 0 : i32
        %dma_start3A_289 = arith.constant 0 : i32
        %dma_start3A_290 = tpu.memref_slice %arg8[%dma_start3A_287, %dma_start3A_288, %dma_start3A_289] : memref<4x16x1024xf32, #tpu.memory_space<vmem>> -> memref<1x16x1024xf32, #tpu.memory_space<vmem>>
        %dma_start3A_291 = tpu.memref_squeeze %dma_start3A_290 : memref<1x16x1024xf32, #tpu.memory_space<vmem>> -> memref<16x1024xf32, #tpu.memory_space<vmem>>
        %dma_start3A_292 = tpu.memref_slice %arg7[%mul3A_286] : memref<512xi32, #tpu.memory_space<vmem>> -> memref<16xi32, #tpu.memory_space<vmem>>
        %dma_start3A_293 = arith.constant 0 : i32
        %dma_start3A_294 = arith.constant 0 : i32
        %dma_start3A_295 = tpu.memref_slice %arg4[%dma_start3A_293, %dma_start3A_294] : memref<1024x1024xf32, #tpu.memory_space<hbm>> -> memref<1024x1024xf32, #tpu.memory_space<hbm>>
        tpu.enqueue_indirect_dma source(%dma_start3A_295 : memref<1024x1024xf32, #tpu.memory_space<hbm>>) target(%dma_start3A_291 : memref<16x1024xf32, #tpu.memory_space<vmem>>) offsets(%dma_start3A_292 : memref<16xi32, #tpu.memory_space<vmem>>) semaphore(%arg9 : memref<!tpu.dma_semaphore, #tpu.memory_space<semaphore_mem>>)
      } else {
      }
      %mul3A_178 = arith.constant 4 : i32
      %mul3A_179 = arith.muli %scan3A_91, %mul3A_178 : i32
      %add3A_180 = arith.constant 2 : i32
      %add3A_181 = arith.addi %mul3A_179, %add3A_180 : i32
      %mul3A_182 = arith.constant 16 : i32
      %mul3A_183 = arith.muli %add3A_181, %mul3A_182 : i32
      %dma_wait3A_184 = arith.constant 2 : i32
      %dma_wait3A_185 = arith.constant 0 : i32
      %dma_wait3A_186 = arith.constant 0 : i32
      %dma_wait3A_187 = tpu.memref_slice %arg8[%dma_wait3A_184, %dma_wait3A_185, %dma_wait3A_186] : memref<4x16x1024xf32, #tpu.memory_space<vmem>> -> memref<1x16x1024xf32, #tpu.memory_space<vmem>>
      %dma_wait3A_188 = tpu.memref_squeeze %dma_wait3A_187 : memref<1x16x1024xf32, #tpu.memory_space<vmem>> -> memref<16x1024xf32, #tpu.memory_space<vmem>>
      %dma_wait3A_189 = tpu.memref_slice %arg7[%mul3A_183] : memref<512xi32, #tpu.memory_space<vmem>> -> memref<16xi32, #tpu.memory_space<vmem>>
      %dma_wait3A_190 = arith.constant 0 : i32
      %dma_wait3A_191 = arith.constant 0 : i32
      %dma_wait3A_192 = tpu.memref_slice %arg4[%dma_wait3A_190, %dma_wait3A_191] : memref<1024x1024xf32, #tpu.memory_space<hbm>> -> memref<1024x1024xf32, #tpu.memory_space<hbm>>
      tpu.wait_indirect_dma semaphore(%arg11 : memref<!tpu.dma_semaphore, #tpu.memory_space<semaphore_mem>>) src(%dma_wait3A_192 : memref<1024x1024xf32, #tpu.memory_space<hbm>>) dst(%dma_wait3A_188 : memref<16x1024xf32, #tpu.memory_space<vmem>>)
      %mul3A_193 = arith.constant 16 : i32
      %mul3A_194 = arith.muli %add3A_181, %mul3A_193 : i32
      %add3A_195 = arith.addi %mul3A_2, %mul3A_194 : i32
      %dma_start3A_196 = arith.constant 2 : i32
      %dma_start3A_197 = arith.constant 0 : i32
      %dma_start3A_198 = arith.constant 0 : i32
      %dma_start3A_199 = tpu.memref_slice %arg8[%dma_start3A_196, %dma_start3A_197, %dma_start3A_198] : memref<4x16x1024xf32, #tpu.memory_space<vmem>> -> memref<1x16x1024xf32, #tpu.memory_space<vmem>>
      %dma_start3A_200 = tpu.memref_squeeze %dma_start3A_199 : memref<1x16x1024xf32, #tpu.memory_space<vmem>> -> memref<16x1024xf32, #tpu.memory_space<vmem>>
      %dma_start3A_201 = arith.constant 0 : i32
      %dma_start3A_202 = tpu.memref_slice %arg5[%add3A_195, %dma_start3A_201] : memref<16384x1024xf32, #tpu.memory_space<hbm>> -> memref<16x1024xf32, #tpu.memory_space<hbm>>
      %dma_start3A_203 = arith.constant 0 : i32
      %dma_start3A_204 = tpu.memref_slice %arg5[%add3A_195, %dma_start3A_203] : memref<16384x1024xf32, #tpu.memory_space<hbm>> -> memref<16x1024xf32, #tpu.memory_space<hbm>>
      %dma_start3A_205 = arith.constant 0 : i32
      %dma_start3A_206 = arith.constant 0 : i32
      %dma_start3A_207 = tpu.memref_slice %arg8[%dma_start3A_196, %dma_start3A_205, %dma_start3A_206] : memref<4x16x1024xf32, #tpu.memory_space<vmem>> -> memref<1x16x1024xf32, #tpu.memory_space<vmem>>
      %dma_start3A_208 = tpu.memref_squeeze %dma_start3A_207 : memref<1x16x1024xf32, #tpu.memory_space<vmem>> -> memref<16x1024xf32, #tpu.memory_space<vmem>>
      tpu.enqueue_dma source(%dma_start3A_208 : memref<16x1024xf32, #tpu.memory_space<vmem>>) target(%dma_start3A_204 : memref<16x1024xf32, #tpu.memory_space<hbm>>) target_semaphore(%arg15 : memref<!tpu.dma_semaphore, #tpu.memory_space<semaphore_mem>>)
      %add3A_209 = arith.constant 4 : i32
      %add3A_210 = arith.addi %add3A_181, %add3A_209 : i32
      %sub3A_211 = arith.constant 1 : i32
      %sub3A_212 = arith.subi %add3A_210, %sub3A_211 : i32
      %ge3A_213 = arith.constant 1 : i32
      %ge3A_214 = arith.cmpi sge, %add3A_181, %ge3A_213 : i32
      %convert_element_type3A_215 = arith.extui %ge3A_214 : i1 to i32
      %cond3A_216 = arith.constant 0 : i32
      %cond3A_217 = arith.cmpi ne, %convert_element_type3A_215, %cond3A_216 : i32
      scf.if %cond3A_217 {
        %sub3A_269 = arith.constant 1 : i32
        %sub3A_270 = arith.subi %add3A_181, %sub3A_269 : i32
        %mul3A_271 = arith.constant 16 : i32
        %mul3A_272 = arith.muli %sub3A_270, %mul3A_271 : i32
        %add3A_273 = arith.addi %mul3A_2, %mul3A_272 : i32
        %dma_wait3A_274 = arith.constant 1 : i32
        %dma_wait3A_275 = arith.constant 0 : i32
        %dma_wait3A_276 = arith.constant 0 : i32
        %dma_wait3A_277 = tpu.memref_slice %arg8[%dma_wait3A_274, %dma_wait3A_275, %dma_wait3A_276] : memref<4x16x1024xf32, #tpu.memory_space<vmem>> -> memref<1x16x1024xf32, #tpu.memory_space<vmem>>
        %dma_wait3A_278 = tpu.memref_squeeze %dma_wait3A_277 : memref<1x16x1024xf32, #tpu.memory_space<vmem>> -> memref<16x1024xf32, #tpu.memory_space<vmem>>
        %dma_wait3A_279 = arith.constant 0 : i32
        %dma_wait3A_280 = tpu.memref_slice %arg5[%add3A_273, %dma_wait3A_279] : memref<16384x1024xf32, #tpu.memory_space<hbm>> -> memref<16x1024xf32, #tpu.memory_space<hbm>>
        %dma_wait3A_281 = arith.constant 0 : i32
        %dma_wait3A_282 = tpu.memref_slice %arg5[%add3A_273, %dma_wait3A_281] : memref<16384x1024xf32, #tpu.memory_space<hbm>> -> memref<16x1024xf32, #tpu.memory_space<hbm>>
        %dma_wait3A_283 = arith.constant 0 : i32
        %dma_wait3A_284 = arith.constant 0 : i32
        %dma_wait3A_285 = tpu.memref_slice %arg8[%dma_wait3A_274, %dma_wait3A_283, %dma_wait3A_284] : memref<4x16x1024xf32, #tpu.memory_space<vmem>> -> memref<1x16x1024xf32, #tpu.memory_space<vmem>>
        %dma_wait3A_286 = tpu.memref_squeeze %dma_wait3A_285 : memref<1x16x1024xf32, #tpu.memory_space<vmem>> -> memref<16x1024xf32, #tpu.memory_space<vmem>>
        tpu.wait_dma2 semaphore(%arg14 : memref<!tpu.dma_semaphore, #tpu.memory_space<semaphore_mem>>) src(%dma_wait3A_286 : memref<16x1024xf32, #tpu.memory_space<vmem>>) dst(%dma_wait3A_282 : memref<16x1024xf32, #tpu.memory_space<hbm>>)
      } else {
      }
      %lt3A_218 = arith.constant 32 : i32
      %lt3A_219 = arith.cmpi slt, %sub3A_212, %lt3A_218 : i32
      %convert_element_type3A_220 = arith.extui %lt3A_219 : i1 to i32
      %cond3A_221 = arith.constant 0 : i32
      %cond3A_222 = arith.cmpi ne, %convert_element_type3A_220, %cond3A_221 : i32
      scf.if %cond3A_222 {
        %mul3A_269 = arith.constant 16 : i32
        %mul3A_270 = arith.muli %sub3A_212, %mul3A_269 : i32
        %get3A_271 = arith.index_cast %mul3A_270 : i32 to index
        %get3A_272 = tpu.vector_load %arg7[%get3A_271] {strides = array<i32>} : memref<512xi32, #tpu.memory_space<vmem>>, vector<16xi32>,
        %broadcast_in_dim3A_273 = arith.constant 0 : i32
        %broadcast_in_dim3A_274 = vector.broadcast %broadcast_in_dim3A_273 : i32 to vector<16xi32>
        %broadcast_in_dim3A_275 = arith.constant 1024 : i32
        %broadcast_in_dim3A_276 = vector.broadcast %broadcast_in_dim3A_275 : i32 to vector<16xi32>
        %scan3A_277 = arith.constant 0 : i32
        %scan3A_278 = arith.constant 11 : i32
        %scan3A_279 = arith.addi %scan3A_277, %scan3A_278 : i32
        %scan3A_280 = arith.constant 1 : i32
        %scan3A_281:2 = scf.for %scan3A_296 = %scan3A_277 to %scan3A_279 step %scan3A_280 iter_args(%scan3A_297 = %broadcast_in_dim3A_274, %scan3A_298 = %broadcast_in_dim3A_276) -> (vector<16xi32>, vector<16xi32>)  : i32 {
          %add3A_299 = arith.addi %scan3A_297, %scan3A_298 : vector<16xi32>
          %shift_right_arithmetic3A = arith.constant 1 : i32
          %shift_right_arithmetic3A_300 = vector.broadcast %shift_right_arithmetic3A : i32 to vector<16xi32>
          %shift_right_arithmetic3A_301 = arith.shrsi %add3A_299, %shift_right_arithmetic3A_300 : vector<16xi32>
          %gather3A = tpu.vector_load_idx %arg6[%shift_right_arithmetic3A_301] : memref<1024xi32, #tpu.memory_space<vmem>>[vector<16xi32>], vector<16xi32>,
          %lt3A_302 = arith.cmpi slt, %gather3A, %get3A_272 : vector<16xi32>
          %convert_element_type3A_303 = arith.extui %lt3A_302 : vector<16xi1> to vector<16xi32>
          %add3A_304 = arith.constant 1 : i32
          %add3A_305 = vector.broadcast %add3A_304 : i32 to vector<16xi32>
          %add3A_306 = arith.addi %shift_right_arithmetic3A_301, %add3A_305 : vector<16xi32>
          %sub3A_307 = arith.subi %add3A_306, %scan3A_297 : vector<16xi32>
          %mul3A_308 = arith.muli %convert_element_type3A_303, %sub3A_307 : vector<16xi32>
          %add3A_309 = arith.addi %scan3A_297, %mul3A_308 : vector<16xi32>
          %sub3A_310 = arith.constant 1 : i32
          %sub3A_311 = vector.broadcast %sub3A_310 : i32 to vector<16xi32>
          %sub3A_312 = arith.subi %sub3A_311, %convert_element_type3A_303 : vector<16xi32>
          %sub3A_313 = arith.subi %scan3A_298, %shift_right_arithmetic3A_301 : vector<16xi32>
          %mul3A_314 = arith.muli %sub3A_312, %sub3A_313 : vector<16xi32>
          %sub3A_315 = arith.subi %scan3A_298, %mul3A_314 : vector<16xi32>
          scf.yield %add3A_309, %sub3A_315 : vector<16xi32>, vector<16xi32>
        }
        %scan3A_282 = arith.constant 11 : i32
        %swap3A_283 = arith.index_cast %mul3A_270 : i32 to index
        %swap3A_284 = tpu.vector_load %arg7[%swap3A_283] {strides = array<i32>} : memref<512xi32, #tpu.memory_space<vmem>>, vector<16xi32>,
        tpu.vector_store %arg7[%swap3A_283], %scan3A_281#0 {strides = array<i32>} : memref<512xi32, #tpu.memory_space<vmem>>, vector<16xi32>,
        %mul3A_285 = arith.constant 16 : i32
        %mul3A_286 = arith.muli %sub3A_212, %mul3A_285 : i32
        %dma_start3A_287 = arith.constant 1 : i32
        %dma_start3A_288 = arith.constant 0 : i32
        %dma_start3A_289 = arith.constant 0 : i32
        %dma_start3A_290 = tpu.memref_slice %arg8[%dma_start3A_287, %dma_start3A_288, %dma_start3A_289] : memref<4x16x1024xf32, #tpu.memory_space<vmem>> -> memref<1x16x1024xf32, #tpu.memory_space<vmem>>
        %dma_start3A_291 = tpu.memref_squeeze %dma_start3A_290 : memref<1x16x1024xf32, #tpu.memory_space<vmem>> -> memref<16x1024xf32, #tpu.memory_space<vmem>>
        %dma_start3A_292 = tpu.memref_slice %arg7[%mul3A_286] : memref<512xi32, #tpu.memory_space<vmem>> -> memref<16xi32, #tpu.memory_space<vmem>>
        %dma_start3A_293 = arith.constant 0 : i32
        %dma_start3A_294 = arith.constant 0 : i32
        %dma_start3A_295 = tpu.memref_slice %arg4[%dma_start3A_293, %dma_start3A_294] : memref<1024x1024xf32, #tpu.memory_space<hbm>> -> memref<1024x1024xf32, #tpu.memory_space<hbm>>
        tpu.enqueue_indirect_dma source(%dma_start3A_295 : memref<1024x1024xf32, #tpu.memory_space<hbm>>) target(%dma_start3A_291 : memref<16x1024xf32, #tpu.memory_space<vmem>>) offsets(%dma_start3A_292 : memref<16xi32, #tpu.memory_space<vmem>>) semaphore(%arg10 : memref<!tpu.dma_semaphore, #tpu.memory_space<semaphore_mem>>)
      } else {
      }
      %mul3A_223 = arith.constant 4 : i32
      %mul3A_224 = arith.muli %scan3A_91, %mul3A_223 : i32
      %add3A_225 = arith.constant 3 : i32
      %add3A_226 = arith.addi %mul3A_224, %add3A_225 : i32
      %mul3A_227 = arith.constant 16 : i32
      %mul3A_228 = arith.muli %add3A_226, %mul3A_227 : i32
      %dma_wait3A_229 = arith.constant 3 : i32
      %dma_wait3A_230 = arith.constant 0 : i32
      %dma_wait3A_231 = arith.constant 0 : i32
      %dma_wait3A_232 = tpu.memref_slice %arg8[%dma_wait3A_229, %dma_wait3A_230, %dma_wait3A_231] : memref<4x16x1024xf32, #tpu.memory_space<vmem>> -> memref<1x16x1024xf32, #tpu.memory_space<vmem>>
      %dma_wait3A_233 = tpu.memref_squeeze %dma_wait3A_232 : memref<1x16x1024xf32, #tpu.memory_space<vmem>> -> memref<16x1024xf32, #tpu.memory_space<vmem>>
      %dma_wait3A_234 = tpu.memref_slice %arg7[%mul3A_228] : memref<512xi32, #tpu.memory_space<vmem>> -> memref<16xi32, #tpu.memory_space<vmem>>
      %dma_wait3A_235 = arith.constant 0 : i32
      %dma_wait3A_236 = arith.constant 0 : i32
      %dma_wait3A_237 = tpu.memref_slice %arg4[%dma_wait3A_235, %dma_wait3A_236] : memref<1024x1024xf32, #tpu.memory_space<hbm>> -> memref<1024x1024xf32, #tpu.memory_space<hbm>>
      tpu.wait_indirect_dma semaphore(%arg12 : memref<!tpu.dma_semaphore, #tpu.memory_space<semaphore_mem>>) src(%dma_wait3A_237 : memref<1024x1024xf32, #tpu.memory_space<hbm>>) dst(%dma_wait3A_233 : memref<16x1024xf32, #tpu.memory_space<vmem>>)
      %mul3A_238 = arith.constant 16 : i32
      %mul3A_239 = arith.muli %add3A_226, %mul3A_238 : i32
      %add3A_240 = arith.addi %mul3A_2, %mul3A_239 : i32
      %dma_start3A_241 = arith.constant 3 : i32
      %dma_start3A_242 = arith.constant 0 : i32
      %dma_start3A_243 = arith.constant 0 : i32
      %dma_start3A_244 = tpu.memref_slice %arg8[%dma_start3A_241, %dma_start3A_242, %dma_start3A_243] : memref<4x16x1024xf32, #tpu.memory_space<vmem>> -> memref<1x16x1024xf32, #tpu.memory_space<vmem>>
      %dma_start3A_245 = tpu.memref_squeeze %dma_start3A_244 : memref<1x16x1024xf32, #tpu.memory_space<vmem>> -> memref<16x1024xf32, #tpu.memory_space<vmem>>
      %dma_start3A_246 = arith.constant 0 : i32
      %dma_start3A_247 = tpu.memref_slice %arg5[%add3A_240, %dma_start3A_246] : memref<16384x1024xf32, #tpu.memory_space<hbm>> -> memref<16x1024xf32, #tpu.memory_space<hbm>>
      %dma_start3A_248 = arith.constant 0 : i32
      %dma_start3A_249 = tpu.memref_slice %arg5[%add3A_240, %dma_start3A_248] : memref<16384x1024xf32, #tpu.memory_space<hbm>> -> memref<16x1024xf32, #tpu.memory_space<hbm>>
      %dma_start3A_250 = arith.constant 0 : i32
      %dma_start3A_251 = arith.constant 0 : i32
      %dma_start3A_252 = tpu.memref_slice %arg8[%dma_start3A_241, %dma_start3A_250, %dma_start3A_251] : memref<4x16x1024xf32, #tpu.memory_space<vmem>> -> memref<1x16x1024xf32, #tpu.memory_space<vmem>>
      %dma_start3A_253 = tpu.memref_squeeze %dma_start3A_252 : memref<1x16x1024xf32, #tpu.memory_space<vmem>> -> memref<16x1024xf32, #tpu.memory_space<vmem>>
      tpu.enqueue_dma source(%dma_start3A_253 : memref<16x1024xf32, #tpu.memory_space<vmem>>) target(%dma_start3A_249 : memref<16x1024xf32, #tpu.memory_space<hbm>>) target_semaphore(%arg16 : memref<!tpu.dma_semaphore, #tpu.memory_space<semaphore_mem>>)
      %add3A_254 = arith.constant 4 : i32
      %add3A_255 = arith.addi %add3A_226, %add3A_254 : i32
      %sub3A_256 = arith.constant 1 : i32
      %sub3A_257 = arith.subi %add3A_255, %sub3A_256 : i32
      %ge3A_258 = arith.constant 1 : i32
      %ge3A_259 = arith.cmpi sge, %add3A_226, %ge3A_258 : i32
      %convert_element_type3A_260 = arith.extui %ge3A_259 : i1 to i32
      %cond3A_261 = arith.constant 0 : i32
      %cond3A_262 = arith.cmpi ne, %convert_element_type3A_260, %cond3A_261 : i32
      scf.if %cond3A_262 {
        %sub3A_269 = arith.constant 1 : i32
        %sub3A_270 = arith.subi %add3A_226, %sub3A_269 : i32
        %mul3A_271 = arith.constant 16 : i32
        %mul3A_272 = arith.muli %sub3A_270, %mul3A_271 : i32
        %add3A_273 = arith.addi %mul3A_2, %mul3A_272 : i32
        %dma_wait3A_274 = arith.constant 2 : i32
        %dma_wait3A_275 = arith.constant 0 : i32
        %dma_wait3A_276 = arith.constant 0 : i32
        %dma_wait3A_277 = tpu.memref_slice %arg8[%dma_wait3A_274, %dma_wait3A_275, %dma_wait3A_276] : memref<4x16x1024xf32, #tpu.memory_space<vmem>> -> memref<1x16x1024xf32, #tpu.memory_space<vmem>>
        %dma_wait3A_278 = tpu.memref_squeeze %dma_wait3A_277 : memref<1x16x1024xf32, #tpu.memory_space<vmem>> -> memref<16x1024xf32, #tpu.memory_space<vmem>>
        %dma_wait3A_279 = arith.constant 0 : i32
        %dma_wait3A_280 = tpu.memref_slice %arg5[%add3A_273, %dma_wait3A_279] : memref<16384x1024xf32, #tpu.memory_space<hbm>> -> memref<16x1024xf32, #tpu.memory_space<hbm>>
        %dma_wait3A_281 = arith.constant 0 : i32
        %dma_wait3A_282 = tpu.memref_slice %arg5[%add3A_273, %dma_wait3A_281] : memref<16384x1024xf32, #tpu.memory_space<hbm>> -> memref<16x1024xf32, #tpu.memory_space<hbm>>
        %dma_wait3A_283 = arith.constant 0 : i32
        %dma_wait3A_284 = arith.constant 0 : i32
        %dma_wait3A_285 = tpu.memref_slice %arg8[%dma_wait3A_274, %dma_wait3A_283, %dma_wait3A_284] : memref<4x16x1024xf32, #tpu.memory_space<vmem>> -> memref<1x16x1024xf32, #tpu.memory_space<vmem>>
        %dma_wait3A_286 = tpu.memref_squeeze %dma_wait3A_285 : memref<1x16x1024xf32, #tpu.memory_space<vmem>> -> memref<16x1024xf32, #tpu.memory_space<vmem>>
        tpu.wait_dma2 semaphore(%arg15 : memref<!tpu.dma_semaphore, #tpu.memory_space<semaphore_mem>>) src(%dma_wait3A_286 : memref<16x1024xf32, #tpu.memory_space<vmem>>) dst(%dma_wait3A_282 : memref<16x1024xf32, #tpu.memory_space<hbm>>)
      } else {
      }
      %lt3A_263 = arith.constant 32 : i32
      %lt3A_264 = arith.cmpi slt, %sub3A_257, %lt3A_263 : i32
      %convert_element_type3A_265 = arith.extui %lt3A_264 : i1 to i32
      %cond3A_266 = arith.constant 0 : i32
      %cond3A_267 = arith.cmpi ne, %convert_element_type3A_265, %cond3A_266 : i32
      scf.if %cond3A_267 {
        %mul3A_269 = arith.constant 16 : i32
        %mul3A_270 = arith.muli %sub3A_257, %mul3A_269 : i32
        %get3A_271 = arith.index_cast %mul3A_270 : i32 to index
        %get3A_272 = tpu.vector_load %arg7[%get3A_271] {strides = array<i32>} : memref<512xi32, #tpu.memory_space<vmem>>, vector<16xi32>,
        %broadcast_in_dim3A_273 = arith.constant 0 : i32
        %broadcast_in_dim3A_274 = vector.broadcast %broadcast_in_dim3A_273 : i32 to vector<16xi32>
        %broadcast_in_dim3A_275 = arith.constant 1024 : i32
        %broadcast_in_dim3A_276 = vector.broadcast %broadcast_in_dim3A_275 : i32 to vector<16xi32>
        %scan3A_277 = arith.constant 0 : i32
        %scan3A_278 = arith.constant 11 : i32
        %scan3A_279 = arith.addi %scan3A_277, %scan3A_278 : i32
        %scan3A_280 = arith.constant 1 : i32
        %scan3A_281:2 = scf.for %scan3A_296 = %scan3A_277 to %scan3A_279 step %scan3A_280 iter_args(%scan3A_297 = %broadcast_in_dim3A_274, %scan3A_298 = %broadcast_in_dim3A_276) -> (vector<16xi32>, vector<16xi32>)  : i32 {
          %add3A_299 = arith.addi %scan3A_297, %scan3A_298 : vector<16xi32>
          %shift_right_arithmetic3A = arith.constant 1 : i32
          %shift_right_arithmetic3A_300 = vector.broadcast %shift_right_arithmetic3A : i32 to vector<16xi32>
          %shift_right_arithmetic3A_301 = arith.shrsi %add3A_299, %shift_right_arithmetic3A_300 : vector<16xi32>
          %gather3A = tpu.vector_load_idx %arg6[%shift_right_arithmetic3A_301] : memref<1024xi32, #tpu.memory_space<vmem>>[vector<16xi32>], vector<16xi32>,
          %lt3A_302 = arith.cmpi slt, %gather3A, %get3A_272 : vector<16xi32>
          %convert_element_type3A_303 = arith.extui %lt3A_302 : vector<16xi1> to vector<16xi32>
          %add3A_304 = arith.constant 1 : i32
          %add3A_305 = vector.broadcast %add3A_304 : i32 to vector<16xi32>
          %add3A_306 = arith.addi %shift_right_arithmetic3A_301, %add3A_305 : vector<16xi32>
          %sub3A_307 = arith.subi %add3A_306, %scan3A_297 : vector<16xi32>
          %mul3A_308 = arith.muli %convert_element_type3A_303, %sub3A_307 : vector<16xi32>
          %add3A_309 = arith.addi %scan3A_297, %mul3A_308 : vector<16xi32>
          %sub3A_310 = arith.constant 1 : i32
          %sub3A_311 = vector.broadcast %sub3A_310 : i32 to vector<16xi32>
          %sub3A_312 = arith.subi %sub3A_311, %convert_element_type3A_303 : vector<16xi32>
          %sub3A_313 = arith.subi %scan3A_298, %shift_right_arithmetic3A_301 : vector<16xi32>
          %mul3A_314 = arith.muli %sub3A_312, %sub3A_313 : vector<16xi32>
          %sub3A_315 = arith.subi %scan3A_298, %mul3A_314 : vector<16xi32>
          scf.yield %add3A_309, %sub3A_315 : vector<16xi32>, vector<16xi32>
        }
        %scan3A_282 = arith.constant 11 : i32
        %swap3A_283 = arith.index_cast %mul3A_270 : i32 to index
        %swap3A_284 = tpu.vector_load %arg7[%swap3A_283] {strides = array<i32>} : memref<512xi32, #tpu.memory_space<vmem>>, vector<16xi32>,
        tpu.vector_store %arg7[%swap3A_283], %scan3A_281#0 {strides = array<i32>} : memref<512xi32, #tpu.memory_space<vmem>>, vector<16xi32>,
        %mul3A_285 = arith.constant 16 : i32
        %mul3A_286 = arith.muli %sub3A_257, %mul3A_285 : i32
        %dma_start3A_287 = arith.constant 2 : i32
        %dma_start3A_288 = arith.constant 0 : i32
        %dma_start3A_289 = arith.constant 0 : i32
        %dma_start3A_290 = tpu.memref_slice %arg8[%dma_start3A_287, %dma_start3A_288, %dma_start3A_289] : memref<4x16x1024xf32, #tpu.memory_space<vmem>> -> memref<1x16x1024xf32, #tpu.memory_space<vmem>>
        %dma_start3A_291 = tpu.memref_squeeze %dma_start3A_290 : memref<1x16x1024xf32, #tpu.memory_space<vmem>> -> memref<16x1024xf32, #tpu.memory_space<vmem>>
        %dma_start3A_292 = tpu.memref_slice %arg7[%mul3A_286] : memref<512xi32, #tpu.memory_space<vmem>> -> memref<16xi32, #tpu.memory_space<vmem>>
        %dma_start3A_293 = arith.constant 0 : i32
        %dma_start3A_294 = arith.constant 0 : i32
        %dma_start3A_295 = tpu.memref_slice %arg4[%dma_start3A_293, %dma_start3A_294] : memref<1024x1024xf32, #tpu.memory_space<hbm>> -> memref<1024x1024xf32, #tpu.memory_space<hbm>>
        tpu.enqueue_indirect_dma source(%dma_start3A_295 : memref<1024x1024xf32, #tpu.memory_space<hbm>>) target(%dma_start3A_291 : memref<16x1024xf32, #tpu.memory_space<vmem>>) offsets(%dma_start3A_292 : memref<16xi32, #tpu.memory_space<vmem>>) semaphore(%arg11 : memref<!tpu.dma_semaphore, #tpu.memory_space<semaphore_mem>>)
      } else {
      }
      %scan3A_268 = arith.constant 0 : i32
      scf.yield %scan3A_268 : i32
    }
    %scan3A_76 = arith.constant 8 : i32
    %add3A_77 = arith.constant 496 : i32
    %add3A_78 = arith.addi %mul3A_2, %add3A_77 : i32
    %dma_wait3A = arith.constant 3 : i32
    %dma_wait3A_79 = arith.constant 0 : i32
    %dma_wait3A_80 = arith.constant 0 : i32
    %dma_wait3A_81 = tpu.memref_slice %arg8[%dma_wait3A, %dma_wait3A_79, %dma_wait3A_80] : memref<4x16x1024xf32, #tpu.memory_space<vmem>> -> memref<1x16x1024xf32, #tpu.memory_space<vmem>>
    %dma_wait3A_82 = tpu.memref_squeeze %dma_wait3A_81 : memref<1x16x1024xf32, #tpu.memory_space<vmem>> -> memref<16x1024xf32, #tpu.memory_space<vmem>>
    %dma_wait3A_83 = arith.constant 0 : i32
    %dma_wait3A_84 = tpu.memref_slice %arg5[%add3A_78, %dma_wait3A_83] : memref<16384x1024xf32, #tpu.memory_space<hbm>> -> memref<16x1024xf32, #tpu.memory_space<hbm>>
    %dma_wait3A_85 = arith.constant 0 : i32
    %dma_wait3A_86 = tpu.memref_slice %arg5[%add3A_78, %dma_wait3A_85] : memref<16384x1024xf32, #tpu.memory_space<hbm>> -> memref<16x1024xf32, #tpu.memory_space<hbm>>
    %dma_wait3A_87 = arith.constant 0 : i32
    %dma_wait3A_88 = arith.constant 0 : i32
    %dma_wait3A_89 = tpu.memref_slice %arg8[%dma_wait3A, %dma_wait3A_87, %dma_wait3A_88] : memref<4x16x1024xf32, #tpu.memory_space<vmem>> -> memref<1x16x1024xf32, #tpu.memory_space<vmem>>
    %dma_wait3A_90 = tpu.memref_squeeze %dma_wait3A_89 : memref<1x16x1024xf32, #tpu.memory_space<vmem>> -> memref<16x1024xf32, #tpu.memory_space<vmem>>
    tpu.wait_dma2 semaphore(%arg16 : memref<!tpu.dma_semaphore, #tpu.memory_space<semaphore_mem>>) src(%dma_wait3A_90 : memref<16x1024xf32, #tpu.memory_space<vmem>>) dst(%dma_wait3A_86 : memref<16x1024xf32, #tpu.memory_space<hbm>>)
    return
  }
}

</mosaic_0001>

<sc_bundles>
// kernel: kernel.3.cloned.1.call-start
scs
__scs_entry_jumppad:
0x0: {  	(pc) =	sbr.rel $0x88, $3  }
0x1: {  	(tag) =	ssettag $0x0;
	lr =	simm.s32 $0x1  }
0x2: {  	[smem:$0x3F9E] =	sst lr;
	_ =	strace $0xD0000000  }
0x3: {  	_ = 	snop  }
0x4: {  	_ = 	snop  }
0x5: {  	_ = 	snop  }
0x6: {  	_ = 	snop  }
0x7: {  	_ = 	snop  }
__scs_overlays_trampoline_lowered:
0x8: {  	[smem:$0x3FAD] =	sst s0  }
0x9: {  	[smem:$0x3FAE] =	sst s1  }
0xa: {  	[smem:$0x3FAF] =	sst s2  }
0xb: {  	[smem:$0x3FB0] =	sst s3  }
0xc: {  	[smem:$0x3FB1] =	sst s4  }
0xd: {  	[smem:$0x3FB2] =	sst s5  }
0xe: {  	[smem:$0x3FB3] =	sst s6  }
0xf: {  	[smem:$0x3FB4] =	sst s7  }
0x10: {  	[smem:$0x3FB5] =	sst s8  }
0x11: {  	[smem:$0x3FB6] =	sst s9;
	s0 =	simm.s32 @!p0 $0x0  }
0x12: {  	s1 =	sld [smem:$0x3F9C];
	s0 =	simm.s32 @p0 $0x1  }
0x13: {  	[smem:$0x3FB7] =	sst s0;
	s0 =	simm.s32 @!p1 $0x0  }
0x14: {  	s2 =	sld [smem:$0x3F9B];
	s0 =	simm.s32 @p1 $0x1  }
0x15: {  	[smem:$0x3FB8] =	sst s0;
	s0 =	simm.s32 @!p2 $0x0  }
0x16: {  	s3 =	sld [smem:$0x3FDB];
	s0 =	simm.s32 @p2 $0x1  }
0x17: {  	s4 =	simm.s32 $0x1BF5;
	[smem:$0x3FBA] =	sst s0  }
0x18: {  	s0 =	sld [smem:$0x3F9D];
	_ =	swait.ge [sflag:s4], $0x0  }
0x19: {  	s7 =	sld [smem:$0x3F9E]  }
0x1a: {  	s8 =	sadd.s32 $0xFFFFE003, lr  }
0x1b: {  	s9 =	sadd.s32 $0xFFFFFEF7, lr;
	s5 =	simm.s32 $0xFFFFFFFF;
	p2 =	slt.u32 s8, $0xFFFFF086  }
0x1c: {  	p1 =	slt.u32 s9, $0xF7A;
	s5 =	simm.s32 @!p2 $0x0  }
0x1d: {  	s5 =	simm.s32 @p1 $0x1;
	p0 =	seq.s32 s7, s2  }
0x1e: {  	s7 =	smul.u32 @!p0 $0xF7A, s2;
	p2 =	seq.s32 @!p0 s5, $0x0  }
0x1f: {  	s9 =	smul.u32 $0xF7A, s1;
	s8 =	simm.s32 @!p0 $0x1BF5;
	p2 =	por !p2, p0  }
0x20: {  	[sflag:s8] =	ssyncset.s32 @!p0 $0xFFFFF086;
	s6 =	sadd.s32 @!p0 s3, s7;
	s7 =	simm.s32 @!p0 $0x108  }
0x21: {  	s3 =	sadd.s32 s3, s9;
	s6 =	sadd.s32 @!p0 $0x88, s6;
	s7 =	simm.s32 @p2 $0x1082  }
0x22: {  	[simem:s7], [sflag:s8] =	dma.local @!p0 [hbm:s6], $0xF7A  }
0x23: {  	s9 =	sor.u32 $0xD0000000, s2;
	s6 =	simm.s32 $0x108;
	_ =	swait.ge @!p0 [sflag:s8], $0x0  }
0x24: {  	s3 =	sadd.s32 $0x88, s3;
	s6 =	simm.s32 @!p1 $0x1082;
	[sflag:s4] =	ssyncset.s32 $0xFFFFF086  }
0x25: {  	[simem:s6], [sflag:s4] =	dma.local [hbm:s3], $0xF7A  }
0x26: {  	[smem:$0x3F9E] =	sst s1;
	(tag) =	ssettag s2;
	_ =	strace s9  }
0x27: {  	s1 =	sld [smem:$0x3FAE]  }
0x28: {  	s2 =	sld [smem:$0x3FAF]  }
0x29: {  	s4 =	sld [smem:$0x3FB1]  }
0x2a: {  	p0 =	seq.s32 s5, $0x0;
	s5 =	sld [smem:$0x3FB2]  }
0x2b: {  	s6 =	sld [smem:$0x3FB3]  }
0x2c: {  	s7 =	sld [smem:$0x3FB4]  }
0x2d: {  	s3 =	simm.s32 $0x108;
	s8 =	sld [smem:$0x3FB5]  }
0x2e: {  	s3 =	simm.s32 @!p0 $0x1082;
	s9 =	sld [smem:$0x3FB6]  }
0x2f: {  	lr =	sadd.s32 s0, s3;
	s0 =	sld [smem:$0x3FAD]  }
0x30: {  	s3 =	sld [smem:$0x3FB0]  }
0x31: {  	[smem:$0x3FB9] =	sst s10  }
0x32: {  	s10 =	sld [smem:$0x3FB7];
	_ =	sdelay $0x3  }
0x33: {  	p0 =	seq.s32 s10, $0x1;
	s10 =	sld [smem:$0x3FB9];
	_ =	sdelay $0x3  }
0x34: {  	[smem:$0x3FB9] =	sst s10  }
0x35: {  	s10 =	sld [smem:$0x3FB8];
	_ =	sdelay $0x3  }
0x36: {  	p1 =	seq.s32 s10, $0x1;
	s10 =	sld [smem:$0x3FB9];
	_ =	sdelay $0x3  }
0x37: {  	[smem:$0x3FB9] =	sst s10  }
0x38: {  	s10 =	sld [smem:$0x3FBA]  }
0x39: {  	_ = 	snop;
	(pc) =	sbr.ind lr, $3  }
0x3a: {  	_ = 	snop  }
0x3b: {  	_ = 	snop  }
0x3c: {  	p2 =	seq.s32 s10, $0x1;
	s10 =	sld [smem:$0x3FB9]  }
0x3d: {  	_ =	shalt  }
0x3e: {  	_ =	shalt  }
0x3f: {  	_ =	shalt  }
0x40: {  	_ =	shalt  }
0x41: {  	_ =	shalt  }
0x42: {  	_ =	shalt  }
0x43: {  	_ =	shalt  }
0x44: {  	_ =	shalt  }
0x45: {  	_ =	shalt  }
0x46: {  	_ =	shalt  }
0x47: {  	_ =	shalt  }
0x48: {  	_ =	shalt  }
0x49: {  	_ =	shalt  }
0x4a: {  	_ =	shalt  }
0x4b: {  	_ =	shalt  }
0x4c: {  	_ =	shalt  }
0x4d: {  	_ =	shalt  }
0x4e: {  	_ =	shalt  }
0x4f: {  	_ =	shalt  }
0x50: {  	_ =	shalt  }
0x51: {  	_ =	shalt  }
0x52: {  	_ =	shalt  }
0x53: {  	_ =	shalt  }
0x54: {  	_ =	shalt  }
0x55: {  	_ =	shalt  }
0x56: {  	_ =	shalt  }
0x57: {  	_ =	shalt  }
0x58: {  	_ =	shalt  }
0x59: {  	_ =	shalt  }
0x5a: {  	_ =	shalt  }
0x5b: {  	_ =	shalt  }
0x5c: {  	_ =	shalt  }
0x5d: {  	_ =	shalt  }
0x5e: {  	_ =	shalt  }
0x5f: {  	_ =	shalt  }
0x60: {  	_ =	shalt  }
0x61: {  	_ =	shalt  }
0x62: {  	_ =	shalt  }
0x63: {  	_ =	shalt  }
0x64: {  	_ =	shalt  }
0x65: {  	_ =	shalt  }
0x66: {  	_ =	shalt  }
0x67: {  	_ =	shalt  }
0x68: {  	_ =	shalt  }
0x69: {  	_ =	shalt  }
0x6a: {  	_ =	shalt  }
0x6b: {  	_ =	shalt  }
0x6c: {  	_ =	shalt  }
0x6d: {  	_ =	shalt  }
0x6e: {  	_ =	shalt  }
0x6f: {  	_ =	shalt  }
0x70: {  	_ =	shalt  }
0x71: {  	_ =	shalt  }
0x72: {  	_ =	shalt  }
0x73: {  	_ =	shalt  }
0x74: {  	_ =	shalt  }
0x75: {  	_ =	shalt  }
0x76: {  	_ =	shalt  }
0x77: {  	_ =	shalt  }
0x78: {  	_ =	shalt  }
0x79: {  	_ =	shalt  }
0x7a: {  	_ =	shalt  }
0x7b: {  	_ =	shalt  }
0x7c: {  	_ =	shalt  }
0x7d: {  	_ =	shalt  }
0x7e: {  	_ =	shalt  }
0x7f: {  	_ =	shalt  }
0x80: {  	_ =	shalt  }
0x81: {  	_ =	shalt  }
0x82: {  	_ =	shalt  }
0x83: {  	_ =	shalt  }
0x84: {  	_ =	shalt  }
0x85: {  	_ =	shalt  }
0x86: {  	_ =	shalt  }
0x87: {  	_ =	shalt  }
.Lfunc_end0:
.L_simem_size_0:
called_computation_lowered:
.L_overlay_start_0:
0x88: {  	s2 =	sld [smem:$0x3FD9]  }
0x89: {  	s3 =	sld [smem:$0x3FFE];
	_ =	sdelay $0x1  }
0x8a: {  	s1 =	srdreg.scid  }
0x8b: {  	s0 =	sand.u32 $0x1, s1  }
0x8c: {  	s18 =	sshll.u32 s0, $0xA;
	s2 =	sadd.s32 s3, s2  }
0x8d: {  	s2 =	sadd.s32 s2, s18  }
0x8e: {  	[smem:$0x3FC5] =	sst s2  }
0x8f: {  	_ = 	snop  }
0x90: {  	s2 =	sld [smem:$0x3FC9]  }
0x91: {  	s19 =	sld [smem:$0x3FC8]  }
0x92: {  	s4 =	sld [smem:$0x3FC7]  }
0x93: {  	s5 =	sld [smem:$0x3FD0];
	(tm) =	ssettm $0x1  }
0x94: {  	s6 =	sld [smem:$0x3FFB];
	_ =	sdelay $0x3  }
0x95: {  	_ =	strace s6  }
0x96: {  	s6 =	sld [smem:$0x3FFC];
	_ =	sdelay $0x3  }
0x97: {  	_ =	strace s6  }
0x98: {  	s6 =	sld [smem:$0x3FFD];
	_ =	sdelay $0x3  }
0x99: {  	_ =	strace s6  }
0x9a: {  	_ =	strace $0x8FFFFFFF  }
0x9b: {  	s20 =	sld [smem:$0x3FDB];
	_ =	sdelay $0x1  }
0x9c: {  	s7 =	simm.s32 $_scs_section_size  }
0x9d: {  	s8 =	simm.s32 $_size__tile_overlayer_lowered;
	s9 =	simm.s32 $_tile_overlayer_lowered  }
0x9e: {  	s23 =	simm.s32 $0x1BFF;
	s22 =	sshll.u32 s9, $0x1;
	s6 =	sadd.s32 s7, s20  }
0x9f: {  	s10 =	simm.s32 $0x0;
	s21 =	sshll.u32 s8, $0x1;
	s8 =	sadd.s32 s22, s6  }
0xa0: {  	[timem:s10], [sflag:s23] =	dma.local [hbm:s8], s21  }
0xa1: {  	_ =	swait.ge [sflag:s23], s21  }
0xa2: {  	s7 =	ssub.s32 $0x0, s21;
	[sflag:s23] =	ssyncset.done $0x0  }
0xa3: {  	[sflag:s23] =	ssyncadd.s32 s7;
	_ =	sdelay $0x1  }
0xa4: {  	s24 =	simm.s32 $0x1B8B  }
0xa5: {  	_ =	swait.ge [sflag:s24], $0x1  }
0xa6: {  	[sflag:s24] =	ssyncset.done $0x0  }
0xa7: {  	s25 =	simm.s32 $0x1B8E;
	[sflag:s24] =	ssyncadd.s32 $0xFFFFFFFF  }
0xa8: {  	s26 =	simm.s32 $execute0_lowered;
	[smem:$0x3FD2] =	sst s25  }
0xa9: {  	s7 =	sshll.u32 s26, $0x1;
	_ =	strace $0x80000046;
	[dreg:$0x1] =	wrdreg $0xFFFFFFFF  }
0xaa: {  	s28 =	simm.s32 $_size_execute0_lowered;
	s6 =	sadd.s32 s6, s7;
	[dreg:$0x0] =	wrdreg $0x0  }
0xab: {  	s7 =	sshll.u32 s28, $0x1;
	[dreg:$0x2] =	wrdreg s6  }
0xac: {  	[dreg:$0x3] =	wrdreg s7  }
0xad: {  	[dreg:$0x4] =	wrdreg $0xC0  }
0xae: {  	_ =	task [dreg:s10], $0x5FFFF  }
0xaf: {  	[dreg:$0x1] =	wrdreg $0xFFFFFFFF  }
0xb0: {  	[dreg:$0x0] =	wrdreg $0x60  }
0xb1: {  	[dreg:$0x2] =	wrdreg s2  }
0xb2: {  	[dreg:$0x3] =	wrdreg s19  }
0xb3: {  	[dreg:$0x4] =	wrdreg s4  }
0xb4: {  	[dreg:$0x5] =	wrdreg s5  }
0xb5: {  	[dreg:$0x6] =	wrdreg $0x9  }
0xb6: {  	_ =	task.clear_ibuf [dreg:s10], $0x7FFFF;
	_ =	strace $0x90000046  }
0xb7: {  	s29 =	simm.s32 $0x9;
	_ =	strace $0x80000048  }
0xb8: {  	_ =	swait.ge [sflag:s29], $0x1  }
0xb9: {  	[sflag:s29] =	ssyncadd.s32 $0xFFFFFFFF  }
0xba: {  	_ =	strace $0x90000048  }
0xbb: {  	_ =	sfence  }
0xbc: {  	s30 =	sld [smem:$0x0];
	_ =	sdelay $0x2  }
0xbd: {  	s31 =	sshll.u32 s1, $0xD;
	s1 =	sshrl.u32 s1, $0x2  }
0xbe: {  	s3 =	sand.u32 $0x4000, s31;
	s1 =	sadd.s32 s1, s30  }
0xbf: {  	s0 =	sor.u32 s3, s0;
	s1 =	sshll.u32 s1, $0x11  }
0xc0: {  	s0 =	sor.u32 s1, s0  }
0xc1: {  	s0 =	sadd.s32 $0x8F2B, s0  }
0xc2: {  	[sflag:s0] =	ssyncadd.remote.s32 $0x1  }
0xc3: {  	_ =	sfence.sel $0xFFFF  }
0xc4: {  	[dreg:$0x0] =	wrdreg $0xFFFFFFFF;
	(pc) =	sbr.abs _section_cstart, $3  }
0xc5: {  	[dreg:$0x1] =	wrdreg $0xFFFFFFFF  }
0xc6: {  	_ =	task.clear_ibuf [dreg:s10], $0x2FFFF;
	_ =	strace $0x9FFFFFFF  }
0xc7: {  	(tm) =	ssettm $0x7FFFFFFF  }
tec
execute0_lowered:
.L_overlay_start_1:
0x0: {  	(tag) =	ssettag $0x1  }
0x1: {  	s0 =	rddreg [dreg:$0x0]  }
0x2: {  	s3 =	rddreg [dreg:$0x2];
	s1 =	srdreg.scid  }
0x3: {  	s2 =	rddreg [dreg:$0x3];
	s8 =	stileid.u32  }
0x4: {  	s4 =	simm.s32 $0x0;
	s13 =	simm.s32 $0x600;
	s21 =	simm.s32 $0x4600  }
0x5: {  	s30 =	simm.s32 $0x8600;
	s12 =	simm.s32 $0xAE00;
	s11 =	simm.s32 $0x1  }
0x6: {  	s14 =	simm.s32 $0xC600;
	s15 =	simm.s32 $0xCE00;
	s16 =	simm.s32 $0xD600  }
0x7: {  	s17 =	simm.s32 $0xDE00;
	s18 =	simm.s32 $0xE600;
	s19 =	simm.s32 $0xEE00  }
0x8: {  	s20 =	simm.s32 $0xF600;
	s22 =	simm.s32 $0xFE00;
	s23 =	simm.s32 $0x2  }
0x9: {  	s24 =	simm.s32 $0x5;
	s28 =	simm.s32 $0x4;
	s29 =	simm.s32 $0x7  }
0xa: {  	s1 =	sand.u32 $0x1, s1;
	s5 =	sshll.u32 s8, $0xA;
	[smem:$0x7FF] =	sst s4  }
0xb: {  	s26 =	sshll.u32 s8, $0x11;
	s8 =	sadd.s32 $0x300, s3;
	s6 =	sshll.u32 s1, $0x9  }
0xc: {  	s7 =	ssub.s32 $0x2, s1;
	_ =	strace $0x80000047;
	s1 =	sshll.u32 s1, $0x10  }
0xd: {  	s5 =	sor.u32 s6, s5;
	s25 =	sshrl.u32 s7, $0x1;
	s6 =	sadd.s32 $0x100, s3  }
.Ltmp0:
0xe: {  	s5 =	sshrl.u32 s5, $0x3;
	s9 =	ssub.s32 s7, s25;
	(pc) =	sbr.rel .LBB2_1-.Ltmp0, $4  }
0xf: {  	s7 =	sadd.s32 $0x200, s3;
	s25 =	simm.s32 $0x3;
	s0 =	sadd.s32 s0, s5  }
0x10: {  	v0 =	vimm.s32 $0x200;
	vm0 =	vmmov $0xffff;
	v5 =	vlaneseq.u32;
	s31 =	smax.u32 s9, $0x1;
	s5 =	simm.s32 $0xB600;
	[dreg:$0x5] =	wrdreg s0  }
0x11: {  	v1 =	vimm.s32 $0x0;
	v2 =	vimm.s32 $0x100;
	v4 =	vshrl.u32 v5, $0x3;
	s9 =	simm.s32 $0xBE00;
	s0 =	sadd.s32 s26, s2;
	[dreg:$0x6] =	wrdreg s31  }
0x12: {  	v3 =	vand.u32 $0x7, v5;
	v5 =	vor.u32 $0x8, v5;
	v4 =	vmul.u32 $0x8, v4;
	s26 =	simm.s32 $0x6;
	s2 =	simm.s32 $0x0;
	s10 =	sadd.s32 s1, s0  }
.LBB2_8:
0x13: {  	s1 =	simm.s32 $0x8  }
0x14: {  	_ =	swait.ge [sflag:s1], $0x4000  }
0x15: {  	s2 =	rddreg [dreg:$0x7]  }
0x16: {  	s0 =	rddreg [dreg:$0x6];
	s2 =	sadd.s32 $0x1, s2  }
0x17: {  	p0 =	sne.s32 s2, s0  }
.Ltmp1:
0x18: {  	_ = 	snop;
	(pc) =	sbr.rel @!p0 .LBB2_9-.Ltmp1, $3  }
0x19: {  	_ =	sdelay $0x1  }
0x1a: {  	[sflag:s1] =	ssyncset.done $0x0  }
0x1b: {  	[sflag:s1] =	ssyncadd.s32 $0xFFFFC000  }
.LBB2_1:
0x1c: {  	[dreg:$0x7] =	wrdreg s2  }
0x1d: {  	s0 =	rddreg [dreg:$0x1];
	s1 =	simm.s32 $0x9  }
0x1e: {  	[tilespmem:s4], [sflag:$0x9] =	stream.linear.gather [hbm4b:s0+s4], $0x400, $0x38;
	[tilespmem:$0x10600] =	vst v63  }
0x1f: {  	_ =	swait.ge [sflag:s1], $0x400  }
0x20: {  	[sflag:s1] =	ssyncset.done $0x0  }
0x21: {  	s2 =	simm.s32 $0x400;
	s0 =	rddreg [dreg:$0x5];
	[sflag:s1] =	ssyncadd.s32 $0xFFFFFC00  }
0x22: {  	[tilespmem:s2], [sflag:$0x9] =	stream.linear.gather [hbm4b:s0+s4], $0x200, $0x38;
	[tilespmem:$0x10600] =	vst v63  }
0x23: {  	_ =	swait.ge [sflag:s1], $0x200  }
0x24: {  	[sflag:s1] =	ssyncset.done $0x0  }
0x25: {  	[sflag:s1] =	ssyncadd.s32 $0xFFFFFE00  }
0x26: {  	v6 =	vld [tilespmem:$0x400]  }
0x27: {  	v7 =	vld.idx.msk [tilespmem:v0+s4+$0x0], $0xffff;
	_ =	sdelay $0x4  }
0x28: {  	vm1 =	vlt.s32 v7, v6  }
0x29: {  	v7 =	vsel vm1, $0x300, v2;
	_ =	sdelay $0x4  }
0x2a: {  	v8 =	vld.idx.msk [tilespmem:v7+s4+$0x0], $0xffff;
	_ =	sdelay $0x4  }
0x2b: {  	v9 =	vsel vm1, $0x400, v0;
	vm2 =	vlt.s32 v8, v6  }
0x2c: {  	v12 =	vsel vm1, $0x201, v1;
	v10 =	vor.u32 $0x1, v7;
	v7 =	vsel vm2, v9, v7  }
0x2d: {  	v8 =	vsel vm2, v10, v12;
	v9 =	vadd.s32 $0xFFFFFFFF, v7  }
0x2e: {  	v10 =	vxor.u32 v9, v8  }
0x2f: {  	v9 =	vor.u32 v9, v8;
	v10 =	vshrl.u32 v10, $0x1  }
0x30: {  	v9 =	vsub.s32 v9, v10;
	_ =	sdelay $0x4  }
0x31: {  	v10 =	vld.idx.msk [tilespmem:v9+s4+$0x0], $0xffff;
	_ =	sdelay $0x4  }
0x32: {  	v13 =	vor.u32 $0x1, v9;
	vm1 =	vlt.s32 v10, v6  }
0x33: {  	v8 =	vsel vm1, v13, v8;
	v7 =	vsel vm1, v7, v9  }
0x34: {  	v9 =	vxor.u32 v8, v7  }
0x35: {  	v10 =	vand.u32 v8, v7;
	v9 =	vshrl.u32 v9, $0x1  }
0x36: {  	v9 =	vadd.s32 v9, v10;
	_ =	sdelay $0x4  }
0x37: {  	v10 =	vld.idx.msk [tilespmem:v9+s4+$0x0], $0xffff;
	_ =	sdelay $0x4  }
0x38: {  	v14 =	vadd.s32 $0x1, v9;
	vm1 =	vlt.s32 v10, v6  }
0x39: {  	v8 =	vsel vm1, v14, v8;
	v7 =	vsel vm1, v7, v9  }
0x3a: {  	v9 =	vadd.s32 v8, v7  }
0x3b: {  	v9 =	vshrl.u32 v9, $0x1;
	_ =	sdelay $0x4  }
0x3c: {  	v15 =	vld.idx.msk [tilespmem:v9+s4+$0x0], $0xffff;
	_ =	sdelay $0x4  }
0x3d: {  	v16 =	vadd.s32 $0x1, v9;
	vm1 =	vlt.s32 v15, v6  }
0x3e: {  	v8 =	vsel vm1, v16, v8;
	v7 =	vsel vm1, v7, v9  }
0x3f: {  	v9 =	vadd.s32 v8, v7  }
0x40: {  	v9 =	vshrl.u32 v9, $0x1;
	_ =	sdelay $0x4  }
0x41: {  	v17 =	vld.idx.msk [tilespmem:v9+s4+$0x0], $0xffff;
	_ =	sdelay $0x4  }
0x42: {  	v18 =	vadd.s32 $0x1, v9;
	vm1 =	vlt.s32 v17, v6  }
0x43: {  	v8 =	vsel vm1, v18, v8;
	v7 =	vsel vm1, v7, v9  }
0x44: {  	v9 =	vadd.s32 v8, v7  }
0x45: {  	v9 =	vshrl.u32 v9, $0x1;
	_ =	sdelay $0x4  }
0x46: {  	v19 =	vld.idx.msk [tilespmem:v9+s4+$0x0], $0xffff;
	_ =	sdelay $0x4  }
0x47: {  	v20 =	vadd.s32 $0x1, v9;
	vm1 =	vlt.s32 v19, v6  }
0x48: {  	v8 =	vsel vm1, v20, v8;
	v7 =	vsel vm1, v7, v9  }
0x49: {  	v9 =	vadd.s32 v8, v7  }
0x4a: {  	v9 =	vshrl.u32 v9, $0x1;
	_ =	sdelay $0x4  }
0x4b: {  	v21 =	vld.idx.msk [tilespmem:v9+s4+$0x0], $0xffff;
	_ =	sdelay $0x4  }
0x4c: {  	v22 =	vadd.s32 $0x1, v9;
	vm1 =	vlt.s32 v21, v6  }
0x4d: {  	v8 =	vsel vm1, v22, v8;
	v7 =	vsel vm1, v7, v9  }
0x4e: {  	v9 =	vadd.s32 v8, v7  }
0x4f: {  	v9 =	vshrl.u32 v9, $0x1;
	_ =	sdelay $0x4  }
0x50: {  	v23 =	vld.idx.msk [tilespmem:v9+s4+$0x0], $0xffff;
	_ =	sdelay $0x4  }
0x51: {  	v24 =	vadd.s32 $0x1, v9;
	vm1 =	vlt.s32 v23, v6  }
0x52: {  	v8 =	vsel vm1, v24, v8;
	v7 =	vsel vm1, v7, v9  }
0x53: {  	v9 =	vadd.s32 v8, v7  }
0x54: {  	v9 =	vshrl.u32 v9, $0x1;
	_ =	sdelay $0x4  }
0x55: {  	v25 =	vld.idx.msk [tilespmem:v9+s4+$0x0], $0xffff;
	_ =	sdelay $0x4  }
0x56: {  	v26 =	vadd.s32 $0x1, v9;
	vm1 =	vlt.s32 v25, v6  }
0x57: {  	v8 =	vsel vm1, v26, v8;
	v7 =	vsel vm1, v7, v9  }
0x58: {  	v7 =	vadd.s32 v8, v7  }
0x59: {  	v7 =	vshrl.u32 v7, $0x1;
	_ =	sdelay $0x4  }
0x5a: {  	v27 =	vld.idx.msk [tilespmem:v7+s4+$0x0], $0xffff;
	_ =	sdelay $0x4  }
0x5b: {  	vm1 =	vlt.s32 v27, v6;
	v6 =	vadd.s32 $0x1, v7  }
0x5c: {  	v6 =	vsel vm1, v6, v8  }
0x5d: {  	v7 =	vshll.u32 v6, $0x3  }
0x5e: {  	v8 =	vand.u32 $0x7, v6;
	v7 =	vand.u32 $0x7FFFFFC0, v7  }
0x5f: {  	v7 =	vor.u32 v8, v7  }
0x60: {  	v8 =	vperm.xlane v7, v3;
	_ =	sdelay $0x1  }
0x61: {  	v8 =	vadd.s32 v4, v8;
	_ =	sdelay $0x3  }
0x62: {  	[tilespmem:$0x400] =	vst v6  }
0x63: {  	[tilespmem:s13], [sflag:$0x1] =	stream.indirect_vreg.gather [hbm4b:s3+s4], $0x80, v8, vm0, $0xb8;
	[tilespmem:$0x10600] =	vst v63  }
0x64: {  	s1 =	simm.s32 $0xE00;
	v6 =	vperm.xlane v7, v5  }
0x65: {  	[tilespmem:s1], [sflag:$0x1] =	stream.indirect_vreg.gather [hbm4b:s6+s4], $0x80, v8, vm0, $0xb8;
	[tilespmem:$0x10600] =	vst v63  }
0x66: {  	s2 =	simm.s32 $0x1600;
	v6 =	vadd.s32 v4, v6  }
0x67: {  	[tilespmem:s2], [sflag:$0x1] =	stream.indirect_vreg.gather [hbm4b:s7+s4], $0x80, v8, vm0, $0xb8;
	[tilespmem:$0x10600] =	vst v63  }
0x68: {  	s1 =	simm.s32 $0x1E00  }
0x69: {  	[tilespmem:s1], [sflag:$0x1] =	stream.indirect_vreg.gather [hbm4b:s8+s4], $0x80, v8, vm0, $0xb8;
	[tilespmem:$0x10600] =	vst v63  }
0x6a: {  	s2 =	simm.s32 $0x2600  }
0x6b: {  	[tilespmem:s2], [sflag:$0x1] =	stream.indirect_vreg.gather [hbm4b:s3+s4], $0x80, v6, vm0, $0xb8;
	[tilespmem:$0x10600] =	vst v63  }
0x6c: {  	s1 =	simm.s32 $0x2E00  }
0x6d: {  	[tilespmem:s1], [sflag:$0x1] =	stream.indirect_vreg.gather [hbm4b:s6+s4], $0x80, v6, vm0, $0xb8;
	[tilespmem:$0x10600] =	vst v63  }
0x6e: {  	s2 =	simm.s32 $0x3600  }
0x6f: {  	[tilespmem:s2], [sflag:$0x1] =	stream.indirect_vreg.gather [hbm4b:s7+s4], $0x80, v6, vm0, $0xb8;
	[tilespmem:$0x10600] =	vst v63  }
0x70: {  	s1 =	simm.s32 $0x3E00  }
0x71: {  	[tilespmem:s1], [sflag:$0x1] =	stream.indirect_vreg.gather [hbm4b:s8+s4], $0x80, v6, vm0, $0xb8;
	[tilespmem:$0x10600] =	vst v63  }
0x72: {  	v6 =	vld [tilespmem:$0x410]  }
0x73: {  	v7 =	vld.idx.msk [tilespmem:v0+s4+$0x0], $0xffff;
	_ =	sdelay $0x4  }
0x74: {  	vm1 =	vlt.s32 v7, v6  }
0x75: {  	v7 =	vsel vm1, $0x300, v2;
	_ =	sdelay $0x4  }
0x76: {  	v8 =	vld.idx.msk [tilespmem:v7+s4+$0x0], $0xffff;
	_ =	sdelay $0x4  }
0x77: {  	v28 =	vsel vm1, $0x400, v0;
	vm2 =	vlt.s32 v8, v6  }
0x78: {  	v29 =	vsel vm1, $0x201, v1;
	v30 =	vor.u32 $0x1, v7;
	v7 =	vsel vm2, v28, v7  }
0x79: {  	v8 =	vsel vm2, v30, v29;
	v9 =	vadd.s32 $0xFFFFFFFF, v7  }
0x7a: {  	v10 =	vxor.u32 v9, v8  }
0x7b: {  	v9 =	vor.u32 v9, v8;
	v10 =	vshrl.u32 v10, $0x1  }
0x7c: {  	v9 =	vsub.s32 v9, v10;
	_ =	sdelay $0x4  }
0x7d: {  	v10 =	vld.idx.msk [tilespmem:v9+s4+$0x0], $0xffff;
	_ =	sdelay $0x4  }
0x7e: {  	v31 =	vor.u32 $0x1, v9;
	vm1 =	vlt.s32 v10, v6  }
0x7f: {  	v8 =	vsel vm1, v31, v8;
	v7 =	vsel vm1, v7, v9  }
0x80: {  	v9 =	vxor.u32 v8, v7  }
0x81: {  	v10 =	vand.u32 v8, v7;
	v9 =	vshrl.u32 v9, $0x1  }
0x82: {  	v9 =	vadd.s32 v9, v10;
	_ =	sdelay $0x4  }
0x83: {  	v10 =	vld.idx.msk [tilespmem:v9+s4+$0x0], $0xffff;
	_ =	sdelay $0x4  }
0x84: {  	v32 =	vadd.s32 $0x1, v9;
	vm1 =	vlt.s32 v10, v6  }
0x85: {  	v8 =	vsel vm1, v32, v8;
	v7 =	vsel vm1, v7, v9  }
0x86: {  	v9 =	vadd.s32 v8, v7  }
0x87: {  	v9 =	vshrl.u32 v9, $0x1;
	_ =	sdelay $0x4  }
0x88: {  	v33 =	vld.idx.msk [tilespmem:v9+s4+$0x0], $0xffff;
	_ =	sdelay $0x4  }
0x89: {  	v34 =	vadd.s32 $0x1, v9;
	vm1 =	vlt.s32 v33, v6  }
0x8a: {  	v8 =	vsel vm1, v34, v8;
	v7 =	vsel vm1, v7, v9  }
0x8b: {  	v9 =	vadd.s32 v8, v7  }
0x8c: {  	v9 =	vshrl.u32 v9, $0x1;
	_ =	sdelay $0x4  }
0x8d: {  	v35 =	vld.idx.msk [tilespmem:v9+s4+$0x0], $0xffff;
	_ =	sdelay $0x4  }
0x8e: {  	v36 =	vadd.s32 $0x1, v9;
	vm1 =	vlt.s32 v35, v6  }
0x8f: {  	v8 =	vsel vm1, v36, v8;
	v7 =	vsel vm1, v7, v9  }
0x90: {  	v9 =	vadd.s32 v8, v7  }
0x91: {  	v9 =	vshrl.u32 v9, $0x1;
	_ =	sdelay $0x4  }
0x92: {  	v37 =	vld.idx.msk [tilespmem:v9+s4+$0x0], $0xffff;
	_ =	sdelay $0x4  }
0x93: {  	v38 =	vadd.s32 $0x1, v9;
	vm1 =	vlt.s32 v37, v6  }
0x94: {  	v8 =	vsel vm1, v38, v8;
	v7 =	vsel vm1, v7, v9  }
0x95: {  	v9 =	vadd.s32 v8, v7  }
0x96: {  	v9 =	vshrl.u32 v9, $0x1;
	_ =	sdelay $0x4  }
0x97: {  	v39 =	vld.idx.msk [tilespmem:v9+s4+$0x0], $0xffff;
	_ =	sdelay $0x4  }
0x98: {  	v40 =	vadd.s32 $0x1, v9;
	vm1 =	vlt.s32 v39, v6  }
0x99: {  	v8 =	vsel vm1, v40, v8;
	v7 =	vsel vm1, v7, v9  }
0x9a: {  	v9 =	vadd.s32 v8, v7  }
0x9b: {  	v9 =	vshrl.u32 v9, $0x1;
	_ =	sdelay $0x4  }
0x9c: {  	v41 =	vld.idx.msk [tilespmem:v9+s4+$0x0], $0xffff;
	_ =	sdelay $0x4  }
0x9d: {  	v42 =	vadd.s32 $0x1, v9;
	vm1 =	vlt.s32 v41, v6  }
0x9e: {  	v8 =	vsel vm1, v42, v8;
	v7 =	vsel vm1, v7, v9  }
0x9f: {  	v9 =	vadd.s32 v8, v7  }
0xa0: {  	v9 =	vshrl.u32 v9, $0x1;
	_ =	sdelay $0x4  }
0xa1: {  	v43 =	vld.idx.msk [tilespmem:v9+s4+$0x0], $0xffff;
	_ =	sdelay $0x4  }
0xa2: {  	v44 =	vadd.s32 $0x1, v9;
	vm1 =	vlt.s32 v43, v6  }
0xa3: {  	v8 =	vsel vm1, v44, v8;
	v7 =	vsel vm1, v7, v9  }
0xa4: {  	v7 =	vadd.s32 v8, v7  }
0xa5: {  	v7 =	vshrl.u32 v7, $0x1;
	_ =	sdelay $0x4  }
0xa6: {  	v45 =	vld.idx.msk [tilespmem:v7+s4+$0x0], $0xffff;
	_ =	sdelay $0x4  }
0xa7: {  	vm1 =	vlt.s32 v45, v6;
	v6 =	vadd.s32 $0x1, v7  }
0xa8: {  	v6 =	vsel vm1, v6, v8  }
0xa9: {  	v7 =	vshll.u32 v6, $0x3  }
0xaa: {  	v8 =	vand.u32 $0x7, v6;
	v7 =	vand.u32 $0x7FFFFFC0, v7  }
0xab: {  	v7 =	vor.u32 v8, v7  }
0xac: {  	v8 =	vperm.xlane v7, v3;
	_ =	sdelay $0x1  }
0xad: {  	v8 =	vadd.s32 v4, v8;
	_ =	sdelay $0x3  }
0xae: {  	[tilespmem:$0x410] =	vst v6  }
0xaf: {  	[tilespmem:s21], [sflag:$0x2] =	stream.indirect_vreg.gather [hbm4b:s3+s4], $0x80, v8, vm0, $0xb8;
	[tilespmem:$0x10600] =	vst v63  }
0xb0: {  	s2 =	simm.s32 $0x4E00;
	v6 =	vperm.xlane v7, v5  }
0xb1: {  	[tilespmem:s2], [sflag:$0x2] =	stream.indirect_vreg.gather [hbm4b:s6+s4], $0x80, v8, vm0, $0xb8;
	[tilespmem:$0x10600] =	vst v63  }
0xb2: {  	s1 =	simm.s32 $0x5600;
	v6 =	vadd.s32 v4, v6  }
0xb3: {  	[tilespmem:s1], [sflag:$0x2] =	stream.indirect_vreg.gather [hbm4b:s7+s4], $0x80, v8, vm0, $0xb8;
	[tilespmem:$0x10600] =	vst v63  }
0xb4: {  	s2 =	simm.s32 $0x5E00  }
0xb5: {  	[tilespmem:s2], [sflag:$0x2] =	stream.indirect_vreg.gather [hbm4b:s8+s4], $0x80, v8, vm0, $0xb8;
	[tilespmem:$0x10600] =	vst v63  }
0xb6: {  	s1 =	simm.s32 $0x6600  }
0xb7: {  	[tilespmem:s1], [sflag:$0x2] =	stream.indirect_vreg.gather [hbm4b:s3+s4], $0x80, v6, vm0, $0xb8;
	[tilespmem:$0x10600] =	vst v63  }
0xb8: {  	s2 =	simm.s32 $0x6E00  }
0xb9: {  	[tilespmem:s2], [sflag:$0x2] =	stream.indirect_vreg.gather [hbm4b:s6+s4], $0x80, v6, vm0, $0xb8;
	[tilespmem:$0x10600] =	vst v63  }
0xba: {  	s1 =	simm.s32 $0x7600  }
0xbb: {  	[tilespmem:s1], [sflag:$0x2] =	stream.indirect_vreg.gather [hbm4b:s7+s4], $0x80, v6, vm0, $0xb8;
	[tilespmem:$0x10600] =	vst v63  }
0xbc: {  	s2 =	simm.s32 $0x7E00  }
0xbd: {  	[tilespmem:s2], [sflag:$0x2] =	stream.indirect_vreg.gather [hbm4b:s8+s4], $0x80, v6, vm0, $0xb8;
	[tilespmem:$0x10600] =	vst v63  }
0xbe: {  	v6 =	vld [tilespmem:$0x420]  }
0xbf: {  	v7 =	vld.idx.msk [tilespmem:v0+s4+$0x0], $0xffff;
	_ =	sdelay $0x4  }
0xc0: {  	vm1 =	vlt.s32 v7, v6  }
0xc1: {  	v7 =	vsel vm1, $0x300, v2;
	_ =	sdelay $0x4  }
0xc2: {  	v8 =	vld.idx.msk [tilespmem:v7+s4+$0x0], $0xffff;
	_ =	sdelay $0x4  }
0xc3: {  	v46 =	vsel vm1, $0x400, v0;
	vm2 =	vlt.s32 v8, v6  }
0xc4: {  	v47 =	vsel vm1, $0x201, v1;
	v48 =	vor.u32 $0x1, v7;
	v7 =	vsel vm2, v46, v7  }
0xc5: {  	v8 =	vsel vm2, v48, v47;
	v9 =	vadd.s32 $0xFFFFFFFF, v7  }
0xc6: {  	v10 =	vxor.u32 v9, v8  }
0xc7: {  	v9 =	vor.u32 v9, v8;
	v10 =	vshrl.u32 v10, $0x1  }
0xc8: {  	v9 =	vsub.s32 v9, v10;
	_ =	sdelay $0x4  }
0xc9: {  	v10 =	vld.idx.msk [tilespmem:v9+s4+$0x0], $0xffff;
	_ =	sdelay $0x4  }
0xca: {  	v49 =	vor.u32 $0x1, v9;
	vm1 =	vlt.s32 v10, v6  }
0xcb: {  	v8 =	vsel vm1, v49, v8;
	v7 =	vsel vm1, v7, v9  }
0xcc: {  	v9 =	vxor.u32 v8, v7  }
0xcd: {  	v10 =	vand.u32 v8, v7;
	v9 =	vshrl.u32 v9, $0x1  }
0xce: {  	v9 =	vadd.s32 v9, v10;
	_ =	sdelay $0x4  }
0xcf: {  	v10 =	vld.idx.msk [tilespmem:v9+s4+$0x0], $0xffff;
	_ =	sdelay $0x4  }
0xd0: {  	v50 =	vadd.s32 $0x1, v9;
	vm1 =	vlt.s32 v10, v6  }
0xd1: {  	v8 =	vsel vm1, v50, v8;
	v7 =	vsel vm1, v7, v9  }
0xd2: {  	v9 =	vadd.s32 v8, v7  }
0xd3: {  	v9 =	vshrl.u32 v9, $0x1;
	_ =	sdelay $0x4  }
0xd4: {  	v51 =	vld.idx.msk [tilespmem:v9+s4+$0x0], $0xffff;
	_ =	sdelay $0x4  }
0xd5: {  	v52 =	vadd.s32 $0x1, v9;
	vm1 =	vlt.s32 v51, v6  }
0xd6: {  	v8 =	vsel vm1, v52, v8;
	v7 =	vsel vm1, v7, v9  }
0xd7: {  	v9 =	vadd.s32 v8, v7  }
0xd8: {  	v9 =	vshrl.u32 v9, $0x1;
	_ =	sdelay $0x4  }
0xd9: {  	v53 =	vld.idx.msk [tilespmem:v9+s4+$0x0], $0xffff;
	_ =	sdelay $0x4  }
0xda: {  	v54 =	vadd.s32 $0x1, v9;
	vm1 =	vlt.s32 v53, v6  }
0xdb: {  	v8 =	vsel vm1, v54, v8;
	v7 =	vsel vm1, v7, v9  }
0xdc: {  	v9 =	vadd.s32 v8, v7  }
0xdd: {  	v9 =	vshrl.u32 v9, $0x1;
	_ =	sdelay $0x4  }
0xde: {  	v55 =	vld.idx.msk [tilespmem:v9+s4+$0x0], $0xffff;
	_ =	sdelay $0x4  }
0xdf: {  	v56 =	vadd.s32 $0x1, v9;
	vm1 =	vlt.s32 v55, v6  }
0xe0: {  	v8 =	vsel vm1, v56, v8;
	v7 =	vsel vm1, v7, v9  }
0xe1: {  	v9 =	vadd.s32 v8, v7  }
0xe2: {  	v9 =	vshrl.u32 v9, $0x1;
	_ =	sdelay $0x4  }
0xe3: {  	v57 =	vld.idx.msk [tilespmem:v9+s4+$0x0], $0xffff;
	_ =	sdelay $0x4  }
0xe4: {  	v58 =	vadd.s32 $0x1, v9;
	vm1 =	vlt.s32 v57, v6  }
0xe5: {  	v8 =	vsel vm1, v58, v8;
	v7 =	vsel vm1, v7, v9  }
0xe6: {  	v9 =	vadd.s32 v8, v7  }
0xe7: {  	v9 =	vshrl.u32 v9, $0x1;
	_ =	sdelay $0x4  }
0xe8: {  	v59 =	vld.idx.msk [tilespmem:v9+s4+$0x0], $0xffff;
	_ =	sdelay $0x4  }
0xe9: {  	v60 =	vadd.s32 $0x1, v9;
	vm1 =	vlt.s32 v59, v6  }
0xea: {  	v8 =	vsel vm1, v60, v8;
	v7 =	vsel vm1, v7, v9  }
0xeb: {  	v9 =	vadd.s32 v8, v7  }
0xec: {  	v9 =	vshrl.u32 v9, $0x1;
	_ =	sdelay $0x4  }
0xed: {  	v61 =	vld.idx.msk [tilespmem:v9+s4+$0x0], $0xffff;
	_ =	sdelay $0x4  }
0xee: {  	v62 =	vadd.s32 $0x1, v9;
	vm1 =	vlt.s32 v61, v6  }
0xef: {  	v8 =	vsel vm1, v62, v8;
	v7 =	vsel vm1, v7, v9  }
0xf0: {  	v7 =	vadd.s32 v8, v7  }
0xf1: {  	v7 =	vshrl.u32 v7, $0x1;
	_ =	sdelay $0x4  }
0xf2: {  	v63 =	vld.idx.msk [tilespmem:v7+s4+$0x0], $0xffff;
	_ =	sdelay $0x4  }
0xf3: {  	vm1 =	vlt.s32 v63, v6;
	v6 =	vadd.s32 $0x1, v7  }
0xf4: {  	v6 =	vsel vm1, v6, v8  }
0xf5: {  	v7 =	vshll.u32 v6, $0x3  }
0xf6: {  	v8 =	vand.u32 $0x7, v6;
	v7 =	vand.u32 $0x7FFFFFC0, v7  }
0xf7: {  	v7 =	vor.u32 v8, v7  }
0xf8: {  	v8 =	vperm.xlane v7, v3;
	_ =	sdelay $0x1  }
0xf9: {  	v8 =	vadd.s32 v4, v8;
	_ =	sdelay $0x3  }
0xfa: {  	[tilespmem:$0x420] =	vst v6  }
0xfb: {  	[tilespmem:s30], [sflag:$0x3] =	stream.indirect_vreg.gather [hbm4b:s3+s4], $0x80, v8, vm0, $0xb8;
	[tilespmem:$0x10600] =	vst v63  }
0xfc: {  	s1 =	simm.s32 $0x8E00;
	v6 =	vperm.xlane v7, v5  }
0xfd: {  	[tilespmem:s1], [sflag:$0x3] =	stream.indirect_vreg.gather [hbm4b:s6+s4], $0x80, v8, vm0, $0xb8;
	[tilespmem:$0x10600] =	vst v63  }
0xfe: {  	s2 =	simm.s32 $0x9600;
	v6 =	vadd.s32 v4, v6  }
0xff: {  	[tilespmem:s2], [sflag:$0x3] =	stream.indirect_vreg.gather [hbm4b:s7+s4], $0x80, v8, vm0, $0xb8;
	[tilespmem:$0x10600] =	vst v63  }
0x100: {  	s1 =	simm.s32 $0x9E00  }
0x101: {  	[tilespmem:s1], [sflag:$0x3] =	stream.indirect_vreg.gather [hbm4b:s8+s4], $0x80, v8, vm0, $0xb8;
	[tilespmem:$0x10600] =	vst v63  }
0x102: {  	s2 =	simm.s32 $0xA600  }
0x103: {  	[tilespmem:s2], [sflag:$0x3] =	stream.indirect_vreg.gather [hbm4b:s3+s4], $0x80, v6, vm0, $0xb8;
	[tilespmem:$0x10600] =	vst v63  }
0x104: {  	_ = 	snop  }
0x105: {  	[tilespmem:s12], [sflag:$0x3] =	stream.indirect_vreg.gather [hbm4b:s6+s4], $0x80, v6, vm0, $0xb8;
	[tilespmem:$0x10600] =	vst v63  }
0x106: {  	_ = 	snop  }
0x107: {  	[tilespmem:s5], [sflag:$0x3] =	stream.indirect_vreg.gather [hbm4b:s7+s4], $0x80, v6, vm0, $0xb8;
	[tilespmem:$0x10600] =	vst v63  }
0x108: {  	s31 =	simm.s32 $0x460;
	s0 =	simm.s32 $0x0  }
0x109: {  	[tilespmem:s9], [sflag:$0x3] =	stream.indirect_vreg.gather [hbm4b:s8+s4], $0x80, v6, vm0, $0xb8;
	[tilespmem:$0x10600] =	vst v63  }
.LBB2_2:
0x10a: {  	_ =	swait.ge [sflag:s11], $0x4000  }
0x10b: {  	p0 =	seq.s32 s0, $0x0;
	[sflag:s11] =	ssyncset.done $0x0  }
0x10c: {  	s1 =	sadd.s32 s0, s10;
	s2 =	simm.s32 @!p0 $0x8;
	[sflag:s11] =	ssyncadd.s32 $0xFFFFC000  }
0x10d: {  	[hbm4b:s1+s4] =	stream.linear.scatter [tilespmem:s13], [sflag:$0x5], $0x4000, $0x38;
	[tilespmem:$0x10600] =	vst v63  }
0x10e: {  	_ =	swait.ge @!p0 [sflag:s2], $0x4000  }
0x10f: {  	[sflag:s2] =	ssyncset.done @!p0 $0x0  }
0x110: {  	[sflag:s2] =	ssyncadd.s32 @!p0 $0xFFFFC000  }
0x111: {  	v6 =	vld [tilespmem:s31+$0xFFFFFFD0]  }
0x112: {  	v7 =	vld.idx.msk [tilespmem:v0+s4+$0x0], $0xffff;
	_ =	sdelay $0x4  }
0x113: {  	vm1 =	vlt.s32 v7, v6  }
0x114: {  	v7 =	vsel vm1, $0x300, v2;
	_ =	sdelay $0x4  }
0x115: {  	v8 =	vld.idx.msk [tilespmem:v7+s4+$0x0], $0xffff;
	_ =	sdelay $0x4  }
0x116: {  	v9 =	vsel vm1, $0x400, v0;
	vm2 =	vlt.s32 v8, v6  }
0x117: {  	v48 =	vsel vm1, $0x201, v1;
	v10 =	vor.u32 $0x1, v7;
	v7 =	vsel vm2, v9, v7  }
0x118: {  	v8 =	vsel vm2, v10, v48;
	v9 =	vadd.s32 $0xFFFFFFFF, v7  }
0x119: {  	v10 =	vxor.u32 v9, v8  }
0x11a: {  	v9 =	vor.u32 v9, v8;
	v10 =	vshrl.u32 v10, $0x1  }
0x11b: {  	v9 =	vsub.s32 v9, v10;
	_ =	sdelay $0x4  }
0x11c: {  	v10 =	vld.idx.msk [tilespmem:v9+s4+$0x0], $0xffff;
	_ =	sdelay $0x4  }
0x11d: {  	v49 =	vor.u32 $0x1, v9;
	vm1 =	vlt.s32 v10, v6  }
0x11e: {  	v8 =	vsel vm1, v49, v8;
	v7 =	vsel vm1, v7, v9  }
0x11f: {  	v9 =	vxor.u32 v8, v7  }
0x120: {  	v10 =	vand.u32 v8, v7;
	v9 =	vshrl.u32 v9, $0x1  }
0x121: {  	v9 =	vadd.s32 v9, v10;
	_ =	sdelay $0x4  }
0x122: {  	v10 =	vld.idx.msk [tilespmem:v9+s4+$0x0], $0xffff;
	_ =	sdelay $0x4  }
0x123: {  	v50 =	vadd.s32 $0x1, v9;
	vm1 =	vlt.s32 v10, v6  }
0x124: {  	v8 =	vsel vm1, v50, v8;
	v7 =	vsel vm1, v7, v9  }
0x125: {  	v9 =	vadd.s32 v8, v7  }
0x126: {  	v9 =	vshrl.u32 v9, $0x1;
	_ =	sdelay $0x4  }
0x127: {  	v51 =	vld.idx.msk [tilespmem:v9+s4+$0x0], $0xffff;
	_ =	sdelay $0x4  }
0x128: {  	v52 =	vadd.s32 $0x1, v9;
	vm1 =	vlt.s32 v51, v6  }
0x129: {  	v8 =	vsel vm1, v52, v8;
	v7 =	vsel vm1, v7, v9  }
0x12a: {  	v9 =	vadd.s32 v8, v7  }
0x12b: {  	v9 =	vshrl.u32 v9, $0x1;
	_ =	sdelay $0x4  }
0x12c: {  	v53 =	vld.idx.msk [tilespmem:v9+s4+$0x0], $0xffff;
	_ =	sdelay $0x4  }
0x12d: {  	v54 =	vadd.s32 $0x1, v9;
	vm1 =	vlt.s32 v53, v6  }
0x12e: {  	v8 =	vsel vm1, v54, v8;
	v7 =	vsel vm1, v7, v9  }
0x12f: {  	v9 =	vadd.s32 v8, v7  }
0x130: {  	v9 =	vshrl.u32 v9, $0x1;
	_ =	sdelay $0x4  }
0x131: {  	v55 =	vld.idx.msk [tilespmem:v9+s4+$0x0], $0xffff;
	_ =	sdelay $0x4  }
0x132: {  	v56 =	vadd.s32 $0x1, v9;
	vm1 =	vlt.s32 v55, v6  }
0x133: {  	v8 =	vsel vm1, v56, v8;
	v7 =	vsel vm1, v7, v9  }
0x134: {  	v9 =	vadd.s32 v8, v7  }
0x135: {  	v9 =	vshrl.u32 v9, $0x1;
	_ =	sdelay $0x4  }
0x136: {  	v57 =	vld.idx.msk [tilespmem:v9+s4+$0x0], $0xffff;
	_ =	sdelay $0x4  }
0x137: {  	v58 =	vadd.s32 $0x1, v9;
	vm1 =	vlt.s32 v57, v6  }
0x138: {  	v8 =	vsel vm1, v58, v8;
	v7 =	vsel vm1, v7, v9  }
0x139: {  	v9 =	vadd.s32 v8, v7  }
0x13a: {  	v9 =	vshrl.u32 v9, $0x1;
	_ =	sdelay $0x4  }
0x13b: {  	v59 =	vld.idx.msk [tilespmem:v9+s4+$0x0], $0xffff;
	_ =	sdelay $0x4  }
0x13c: {  	v60 =	vadd.s32 $0x1, v9;
	vm1 =	vlt.s32 v59, v6  }
0x13d: {  	v8 =	vsel vm1, v60, v8;
	v7 =	vsel vm1, v7, v9  }
0x13e: {  	v9 =	vadd.s32 v8, v7  }
0x13f: {  	v9 =	vshrl.u32 v9, $0x1;
	_ =	sdelay $0x4  }
0x140: {  	v61 =	vld.idx.msk [tilespmem:v9+s4+$0x0], $0xffff;
	_ =	sdelay $0x4  }
0x141: {  	v62 =	vadd.s32 $0x1, v9;
	vm1 =	vlt.s32 v61, v6  }
0x142: {  	v8 =	vsel vm1, v62, v8;
	v7 =	vsel vm1, v7, v9  }
0x143: {  	v7 =	vadd.s32 v8, v7  }
0x144: {  	v7 =	vshrl.u32 v7, $0x1;
	_ =	sdelay $0x4  }
0x145: {  	v63 =	vld.idx.msk [tilespmem:v7+s4+$0x0], $0xffff;
	_ =	sdelay $0x4  }
0x146: {  	vm1 =	vlt.s32 v63, v6;
	v6 =	vadd.s32 $0x1, v7  }
0x147: {  	v6 =	vsel vm1, v6, v8  }
0x148: {  	v7 =	vshll.u32 v6, $0x3  }
0x149: {  	v8 =	vand.u32 $0x7, v6;
	v7 =	vand.u32 $0x7FFFFFC0, v7  }
0x14a: {  	v7 =	vor.u32 v8, v7  }
0x14b: {  	v8 =	vperm.xlane v7, v3;
	_ =	sdelay $0x1  }
0x14c: {  	v8 =	vadd.s32 v4, v8;
	_ =	sdelay $0x3  }
0x14d: {  	[tilespmem:s31+$0xFFFFFFD0] =	vst v6  }
0x14e: {  	[tilespmem:s14], [sflag:$0x4] =	stream.indirect_vreg.gather [hbm4b:s3+s4], $0x80, v8, vm0, $0xb8;
	[tilespmem:$0x10600] =	vst v63  }
0x14f: {  	v6 =	vperm.xlane v7, v5  }
0x150: {  	[tilespmem:s15], [sflag:$0x4] =	stream.indirect_vreg.gather [hbm4b:s6+s4], $0x80, v8, vm0, $0xb8;
	[tilespmem:$0x10600] =	vst v63  }
0x151: {  	v6 =	vadd.s32 v4, v6  }
0x152: {  	[tilespmem:s16], [sflag:$0x4] =	stream.indirect_vreg.gather [hbm4b:s7+s4], $0x80, v8, vm0, $0xb8;
	[tilespmem:$0x10600] =	vst v63  }
0x153: {  	_ = 	snop  }
0x154: {  	[tilespmem:s17], [sflag:$0x4] =	stream.indirect_vreg.gather [hbm4b:s8+s4], $0x80, v8, vm0, $0xb8;
	[tilespmem:$0x10600] =	vst v63  }
0x155: {  	_ = 	snop  }
0x156: {  	[tilespmem:s18], [sflag:$0x4] =	stream.indirect_vreg.gather [hbm4b:s3+s4], $0x80, v6, vm0, $0xb8;
	[tilespmem:$0x10600] =	vst v63  }
0x157: {  	_ = 	snop  }
0x158: {  	[tilespmem:s19], [sflag:$0x4] =	stream.indirect_vreg.gather [hbm4b:s6+s4], $0x80, v6, vm0, $0xb8;
	[tilespmem:$0x10600] =	vst v63  }
0x159: {  	_ = 	snop  }
0x15a: {  	[tilespmem:s20], [sflag:$0x4] =	stream.indirect_vreg.gather [hbm4b:s7+s4], $0x80, v6, vm0, $0xb8;
	[tilespmem:$0x10600] =	vst v63  }
0x15b: {  	_ = 	snop  }
0x15c: {  	[tilespmem:s22], [sflag:$0x4] =	stream.indirect_vreg.gather [hbm4b:s8+s4], $0x80, v6, vm0, $0xb8;
	[tilespmem:$0x10600] =	vst v63  }
0x15d: {  	_ =	swait.ge [sflag:s23], $0x4000  }
0x15e: {  	p0 =	seq.s32 s0, $0xE000;
	[sflag:s23] =	ssyncset.done $0x0  }
.Ltmp2:
0x15f: {  	s2 =	sadd.s32 $0x800, s1;
	[sflag:s23] =	ssyncadd.s32 $0xFFFFC000;
	(pc) =	sbr.rel @p0 .LBB2_4-.Ltmp2, $4  }
0x160: {  	[hbm4b:s2+s4] =	stream.linear.scatter [tilespmem:s21], [sflag:$0x6], $0x4000, $0x38;
	[tilespmem:$0x10600] =	vst v63  }
0x161: {  	_ =	swait.ge [sflag:s24], $0x4000  }
0x162: {  	[sflag:s24] =	ssyncset.done $0x0  }
0x163: {  	[sflag:s24] =	ssyncadd.s32 $0xFFFFC000  }
0x164: {  	_ =	sdelay $0x2  }
0x165: {  	v6 =	vld [tilespmem:s31+$0xFFFFFFE0]  }
0x166: {  	v7 =	vld.idx.msk [tilespmem:v0+s4+$0x0], $0xffff;
	_ =	sdelay $0x4  }
0x167: {  	vm1 =	vlt.s32 v7, v6  }
0x168: {  	v7 =	vsel vm1, $0x300, v2;
	_ =	sdelay $0x4  }
0x169: {  	v8 =	vld.idx.msk [tilespmem:v7+s4+$0x0], $0xffff;
	_ =	sdelay $0x4  }
0x16a: {  	v9 =	vsel vm1, $0x400, v0;
	vm2 =	vlt.s32 v8, v6  }
0x16b: {  	v48 =	vsel vm1, $0x201, v1;
	v10 =	vor.u32 $0x1, v7;
	v7 =	vsel vm2, v9, v7  }
0x16c: {  	v8 =	vsel vm2, v10, v48;
	v9 =	vadd.s32 $0xFFFFFFFF, v7  }
0x16d: {  	v10 =	vxor.u32 v9, v8  }
0x16e: {  	v9 =	vor.u32 v9, v8;
	v10 =	vshrl.u32 v10, $0x1  }
0x16f: {  	v9 =	vsub.s32 v9, v10;
	_ =	sdelay $0x4  }
0x170: {  	v10 =	vld.idx.msk [tilespmem:v9+s4+$0x0], $0xffff;
	_ =	sdelay $0x4  }
0x171: {  	v49 =	vor.u32 $0x1, v9;
	vm1 =	vlt.s32 v10, v6  }
0x172: {  	v8 =	vsel vm1, v49, v8;
	v7 =	vsel vm1, v7, v9  }
0x173: {  	v9 =	vxor.u32 v8, v7  }
0x174: {  	v10 =	vand.u32 v8, v7;
	v9 =	vshrl.u32 v9, $0x1  }
0x175: {  	v9 =	vadd.s32 v9, v10;
	_ =	sdelay $0x4  }
0x176: {  	v10 =	vld.idx.msk [tilespmem:v9+s4+$0x0], $0xffff;
	_ =	sdelay $0x4  }
0x177: {  	v50 =	vadd.s32 $0x1, v9;
	vm1 =	vlt.s32 v10, v6  }
0x178: {  	v8 =	vsel vm1, v50, v8;
	v7 =	vsel vm1, v7, v9  }
0x179: {  	v9 =	vadd.s32 v8, v7  }
0x17a: {  	v9 =	vshrl.u32 v9, $0x1;
	_ =	sdelay $0x4  }
0x17b: {  	v51 =	vld.idx.msk [tilespmem:v9+s4+$0x0], $0xffff;
	_ =	sdelay $0x4  }
0x17c: {  	v52 =	vadd.s32 $0x1, v9;
	vm1 =	vlt.s32 v51, v6  }
0x17d: {  	v8 =	vsel vm1, v52, v8;
	v7 =	vsel vm1, v7, v9  }
0x17e: {  	v9 =	vadd.s32 v8, v7  }
0x17f: {  	v9 =	vshrl.u32 v9, $0x1;
	_ =	sdelay $0x4  }
0x180: {  	v53 =	vld.idx.msk [tilespmem:v9+s4+$0x0], $0xffff;
	_ =	sdelay $0x4  }
0x181: {  	v54 =	vadd.s32 $0x1, v9;
	vm1 =	vlt.s32 v53, v6  }
0x182: {  	v8 =	vsel vm1, v54, v8;
	v7 =	vsel vm1, v7, v9  }
0x183: {  	v9 =	vadd.s32 v8, v7  }
0x184: {  	v9 =	vshrl.u32 v9, $0x1;
	_ =	sdelay $0x4  }
0x185: {  	v55 =	vld.idx.msk [tilespmem:v9+s4+$0x0], $0xffff;
	_ =	sdelay $0x4  }
0x186: {  	v56 =	vadd.s32 $0x1, v9;
	vm1 =	vlt.s32 v55, v6  }
0x187: {  	v8 =	vsel vm1, v56, v8;
	v7 =	vsel vm1, v7, v9  }
0x188: {  	v9 =	vadd.s32 v8, v7  }
0x189: {  	v9 =	vshrl.u32 v9, $0x1;
	_ =	sdelay $0x4  }
0x18a: {  	v57 =	vld.idx.msk [tilespmem:v9+s4+$0x0], $0xffff;
	_ =	sdelay $0x4  }
0x18b: {  	v58 =	vadd.s32 $0x1, v9;
	vm1 =	vlt.s32 v57, v6  }
0x18c: {  	v8 =	vsel vm1, v58, v8;
	v7 =	vsel vm1, v7, v9  }
0x18d: {  	v9 =	vadd.s32 v8, v7  }
0x18e: {  	v9 =	vshrl.u32 v9, $0x1;
	_ =	sdelay $0x4  }
0x18f: {  	v59 =	vld.idx.msk [tilespmem:v9+s4+$0x0], $0xffff;
	_ =	sdelay $0x4  }
0x190: {  	v60 =	vadd.s32 $0x1, v9;
	vm1 =	vlt.s32 v59, v6  }
0x191: {  	v8 =	vsel vm1, v60, v8;
	v7 =	vsel vm1, v7, v9  }
0x192: {  	v9 =	vadd.s32 v8, v7  }
0x193: {  	v9 =	vshrl.u32 v9, $0x1;
	_ =	sdelay $0x4  }
0x194: {  	v61 =	vld.idx.msk [tilespmem:v9+s4+$0x0], $0xffff;
	_ =	sdelay $0x4  }
0x195: {  	v62 =	vadd.s32 $0x1, v9;
	vm1 =	vlt.s32 v61, v6  }
0x196: {  	v8 =	vsel vm1, v62, v8;
	v7 =	vsel vm1, v7, v9  }
0x197: {  	v7 =	vadd.s32 v8, v7  }
0x198: {  	v7 =	vshrl.u32 v7, $0x1;
	_ =	sdelay $0x4  }
0x199: {  	v63 =	vld.idx.msk [tilespmem:v7+s4+$0x0], $0xffff;
	_ =	sdelay $0x4  }
0x19a: {  	vm1 =	vlt.s32 v63, v6;
	v6 =	vadd.s32 $0x1, v7  }
0x19b: {  	v6 =	vsel vm1, v6, v8  }
0x19c: {  	v7 =	vshll.u32 v6, $0x3  }
0x19d: {  	v8 =	vand.u32 $0x7, v6;
	v7 =	vand.u32 $0x7FFFFFC0, v7  }
0x19e: {  	v7 =	vor.u32 v8, v7  }
0x19f: {  	v8 =	vperm.xlane v7, v3;
	_ =	sdelay $0x1  }
0x1a0: {  	v8 =	vadd.s32 v4, v8;
	_ =	sdelay $0x3  }
0x1a1: {  	[tilespmem:s31+$0xFFFFFFE0] =	vst v6  }
0x1a2: {  	[tilespmem:s13], [sflag:$0x1] =	stream.indirect_vreg.gather [hbm4b:s3+s4], $0x80, v8, vm0, $0xb8;
	[tilespmem:$0x10600] =	vst v63  }
0x1a3: {  	s2 =	simm.s32 $0xE00;
	v6 =	vperm.xlane v7, v5  }
0x1a4: {  	[tilespmem:s2], [sflag:$0x1] =	stream.indirect_vreg.gather [hbm4b:s6+s4], $0x80, v8, vm0, $0xb8;
	[tilespmem:$0x10600] =	vst v63  }
0x1a5: {  	v6 =	vadd.s32 v4, v6;
	s2 =	simm.s32 $0x1600  }
0x1a6: {  	[tilespmem:s2], [sflag:$0x1] =	stream.indirect_vreg.gather [hbm4b:s7+s4], $0x80, v8, vm0, $0xb8;
	[tilespmem:$0x10600] =	vst v63  }
0x1a7: {  	s2 =	simm.s32 $0x1E00  }
0x1a8: {  	[tilespmem:s2], [sflag:$0x1] =	stream.indirect_vreg.gather [hbm4b:s8+s4], $0x80, v8, vm0, $0xb8;
	[tilespmem:$0x10600] =	vst v63  }
0x1a9: {  	s2 =	simm.s32 $0x2600  }
0x1aa: {  	[tilespmem:s2], [sflag:$0x1] =	stream.indirect_vreg.gather [hbm4b:s3+s4], $0x80, v6, vm0, $0xb8;
	[tilespmem:$0x10600] =	vst v63  }
0x1ab: {  	s2 =	simm.s32 $0x2E00  }
0x1ac: {  	[tilespmem:s2], [sflag:$0x1] =	stream.indirect_vreg.gather [hbm4b:s6+s4], $0x80, v6, vm0, $0xb8;
	[tilespmem:$0x10600] =	vst v63  }
0x1ad: {  	s2 =	simm.s32 $0x3600  }
0x1ae: {  	[tilespmem:s2], [sflag:$0x1] =	stream.indirect_vreg.gather [hbm4b:s7+s4], $0x80, v6, vm0, $0xb8;
	[tilespmem:$0x10600] =	vst v63  }
0x1af: {  	s2 =	simm.s32 $0x3E00  }
0x1b0: {  	[tilespmem:s2], [sflag:$0x1] =	stream.indirect_vreg.gather [hbm4b:s8+s4], $0x80, v6, vm0, $0xb8;
	[tilespmem:$0x10600] =	vst v63  }
.LBB2_4:
0x1b1: {  	_ =	swait.ge [sflag:s25], $0x4000  }
0x1b2: {  	[sflag:s25] =	ssyncset.done $0x0  }
.Ltmp3:
0x1b3: {  	s2 =	sadd.s32 $0x1000, s1;
	[sflag:s25] =	ssyncadd.s32 $0xFFFFC000;
	(pc) =	sbr.rel @p0 .LBB2_6-.Ltmp3, $4  }
0x1b4: {  	[hbm4b:s2+s4] =	stream.linear.scatter [tilespmem:s30], [sflag:$0x7], $0x4000, $0x38;
	[tilespmem:$0x10600] =	vst v63  }
0x1b5: {  	_ =	swait.ge [sflag:s26], $0x4000  }
0x1b6: {  	[sflag:s26] =	ssyncset.done $0x0  }
0x1b7: {  	[sflag:s26] =	ssyncadd.s32 $0xFFFFC000  }
0x1b8: {  	_ =	sdelay $0x2  }
0x1b9: {  	v6 =	vld [tilespmem:s31+$0xFFFFFFF0]  }
0x1ba: {  	v7 =	vld.idx.msk [tilespmem:v0+s4+$0x0], $0xffff;
	_ =	sdelay $0x4  }
0x1bb: {  	vm1 =	vlt.s32 v7, v6  }
0x1bc: {  	v7 =	vsel vm1, $0x300, v2;
	_ =	sdelay $0x4  }
0x1bd: {  	v8 =	vld.idx.msk [tilespmem:v7+s4+$0x0], $0xffff;
	_ =	sdelay $0x4  }
0x1be: {  	v9 =	vsel vm1, $0x400, v0;
	vm2 =	vlt.s32 v8, v6  }
0x1bf: {  	v48 =	vsel vm1, $0x201, v1;
	v10 =	vor.u32 $0x1, v7;
	v7 =	vsel vm2, v9, v7  }
0x1c0: {  	v8 =	vsel vm2, v10, v48;
	v9 =	vadd.s32 $0xFFFFFFFF, v7  }
0x1c1: {  	v10 =	vxor.u32 v9, v8  }
0x1c2: {  	v9 =	vor.u32 v9, v8;
	v10 =	vshrl.u32 v10, $0x1  }
0x1c3: {  	v9 =	vsub.s32 v9, v10;
	_ =	sdelay $0x4  }
0x1c4: {  	v10 =	vld.idx.msk [tilespmem:v9+s4+$0x0], $0xffff;
	_ =	sdelay $0x4  }
0x1c5: {  	v49 =	vor.u32 $0x1, v9;
	vm1 =	vlt.s32 v10, v6  }
0x1c6: {  	v8 =	vsel vm1, v49, v8;
	v7 =	vsel vm1, v7, v9  }
0x1c7: {  	v9 =	vxor.u32 v8, v7  }
0x1c8: {  	v10 =	vand.u32 v8, v7;
	v9 =	vshrl.u32 v9, $0x1  }
0x1c9: {  	v9 =	vadd.s32 v9, v10;
	_ =	sdelay $0x4  }
0x1ca: {  	v10 =	vld.idx.msk [tilespmem:v9+s4+$0x0], $0xffff;
	_ =	sdelay $0x4  }
0x1cb: {  	v50 =	vadd.s32 $0x1, v9;
	vm1 =	vlt.s32 v10, v6  }
0x1cc: {  	v8 =	vsel vm1, v50, v8;
	v7 =	vsel vm1, v7, v9  }
0x1cd: {  	v9 =	vadd.s32 v8, v7  }
0x1ce: {  	v9 =	vshrl.u32 v9, $0x1;
	_ =	sdelay $0x4  }
0x1cf: {  	v51 =	vld.idx.msk [tilespmem:v9+s4+$0x0], $0xffff;
	_ =	sdelay $0x4  }
0x1d0: {  	v52 =	vadd.s32 $0x1, v9;
	vm1 =	vlt.s32 v51, v6  }
0x1d1: {  	v8 =	vsel vm1, v52, v8;
	v7 =	vsel vm1, v7, v9  }
0x1d2: {  	v9 =	vadd.s32 v8, v7  }
0x1d3: {  	v9 =	vshrl.u32 v9, $0x1;
	_ =	sdelay $0x4  }
0x1d4: {  	v53 =	vld.idx.msk [tilespmem:v9+s4+$0x0], $0xffff;
	_ =	sdelay $0x4  }
0x1d5: {  	v54 =	vadd.s32 $0x1, v9;
	vm1 =	vlt.s32 v53, v6  }
0x1d6: {  	v8 =	vsel vm1, v54, v8;
	v7 =	vsel vm1, v7, v9  }
0x1d7: {  	v9 =	vadd.s32 v8, v7  }
0x1d8: {  	v9 =	vshrl.u32 v9, $0x1;
	_ =	sdelay $0x4  }
0x1d9: {  	v55 =	vld.idx.msk [tilespmem:v9+s4+$0x0], $0xffff;
	_ =	sdelay $0x4  }
0x1da: {  	v56 =	vadd.s32 $0x1, v9;
	vm1 =	vlt.s32 v55, v6  }
0x1db: {  	v8 =	vsel vm1, v56, v8;
	v7 =	vsel vm1, v7, v9  }
0x1dc: {  	v9 =	vadd.s32 v8, v7  }
0x1dd: {  	v9 =	vshrl.u32 v9, $0x1;
	_ =	sdelay $0x4  }
0x1de: {  	v57 =	vld.idx.msk [tilespmem:v9+s4+$0x0], $0xffff;
	_ =	sdelay $0x4  }
0x1df: {  	v58 =	vadd.s32 $0x1, v9;
	vm1 =	vlt.s32 v57, v6  }
0x1e0: {  	v8 =	vsel vm1, v58, v8;
	v7 =	vsel vm1, v7, v9  }
0x1e1: {  	v9 =	vadd.s32 v8, v7  }
0x1e2: {  	v9 =	vshrl.u32 v9, $0x1;
	_ =	sdelay $0x4  }
0x1e3: {  	v59 =	vld.idx.msk [tilespmem:v9+s4+$0x0], $0xffff;
	_ =	sdelay $0x4  }
0x1e4: {  	v60 =	vadd.s32 $0x1, v9;
	vm1 =	vlt.s32 v59, v6  }
0x1e5: {  	v8 =	vsel vm1, v60, v8;
	v7 =	vsel vm1, v7, v9  }
0x1e6: {  	v9 =	vadd.s32 v8, v7  }
0x1e7: {  	v9 =	vshrl.u32 v9, $0x1;
	_ =	sdelay $0x4  }
0x1e8: {  	v61 =	vld.idx.msk [tilespmem:v9+s4+$0x0], $0xffff;
	_ =	sdelay $0x4  }
0x1e9: {  	v62 =	vadd.s32 $0x1, v9;
	vm1 =	vlt.s32 v61, v6  }
0x1ea: {  	v8 =	vsel vm1, v62, v8;
	v7 =	vsel vm1, v7, v9  }
0x1eb: {  	v7 =	vadd.s32 v8, v7  }
0x1ec: {  	v7 =	vshrl.u32 v7, $0x1;
	_ =	sdelay $0x4  }
0x1ed: {  	v63 =	vld.idx.msk [tilespmem:v7+s4+$0x0], $0xffff;
	_ =	sdelay $0x4  }
0x1ee: {  	vm1 =	vlt.s32 v63, v6;
	v6 =	vadd.s32 $0x1, v7  }
0x1ef: {  	v6 =	vsel vm1, v6, v8  }
0x1f0: {  	v7 =	vshll.u32 v6, $0x3  }
0x1f1: {  	v8 =	vand.u32 $0x7, v6;
	v7 =	vand.u32 $0x7FFFFFC0, v7  }
0x1f2: {  	v7 =	vor.u32 v8, v7  }
0x1f3: {  	v8 =	vperm.xlane v7, v3;
	_ =	sdelay $0x1  }
0x1f4: {  	v8 =	vadd.s32 v4, v8;
	_ =	sdelay $0x3  }
0x1f5: {  	[tilespmem:s31+$0xFFFFFFF0] =	vst v6  }
0x1f6: {  	[tilespmem:s21], [sflag:$0x2] =	stream.indirect_vreg.gather [hbm4b:s3+s4], $0x80, v8, vm0, $0xb8;
	[tilespmem:$0x10600] =	vst v63  }
0x1f7: {  	s2 =	simm.s32 $0x4E00;
	v6 =	vperm.xlane v7, v5  }
0x1f8: {  	[tilespmem:s2], [sflag:$0x2] =	stream.indirect_vreg.gather [hbm4b:s6+s4], $0x80, v8, vm0, $0xb8;
	[tilespmem:$0x10600] =	vst v63  }
0x1f9: {  	v6 =	vadd.s32 v4, v6;
	s2 =	simm.s32 $0x5600  }
0x1fa: {  	[tilespmem:s2], [sflag:$0x2] =	stream.indirect_vreg.gather [hbm4b:s7+s4], $0x80, v8, vm0, $0xb8;
	[tilespmem:$0x10600] =	vst v63  }
0x1fb: {  	s2 =	simm.s32 $0x5E00  }
0x1fc: {  	[tilespmem:s2], [sflag:$0x2] =	stream.indirect_vreg.gather [hbm4b:s8+s4], $0x80, v8, vm0, $0xb8;
	[tilespmem:$0x10600] =	vst v63  }
0x1fd: {  	s2 =	simm.s32 $0x6600  }
0x1fe: {  	[tilespmem:s2], [sflag:$0x2] =	stream.indirect_vreg.gather [hbm4b:s3+s4], $0x80, v6, vm0, $0xb8;
	[tilespmem:$0x10600] =	vst v63  }
0x1ff: {  	s2 =	simm.s32 $0x6E00  }
0x200: {  	[tilespmem:s2], [sflag:$0x2] =	stream.indirect_vreg.gather [hbm4b:s6+s4], $0x80, v6, vm0, $0xb8;
	[tilespmem:$0x10600] =	vst v63  }
0x201: {  	s2 =	simm.s32 $0x7600  }
0x202: {  	[tilespmem:s2], [sflag:$0x2] =	stream.indirect_vreg.gather [hbm4b:s7+s4], $0x80, v6, vm0, $0xb8;
	[tilespmem:$0x10600] =	vst v63  }
0x203: {  	s2 =	simm.s32 $0x7E00  }
0x204: {  	[tilespmem:s2], [sflag:$0x2] =	stream.indirect_vreg.gather [hbm4b:s8+s4], $0x80, v6, vm0, $0xb8;
	[tilespmem:$0x10600] =	vst v63  }
.LBB2_6:
0x205: {  	_ =	swait.ge [sflag:s28], $0x4000  }
0x206: {  	[sflag:s28] =	ssyncset.done $0x0  }
.Ltmp4:
0x207: {  	s1 =	sadd.s32 $0x1800, s1;
	[sflag:s28] =	ssyncadd.s32 $0xFFFFC000;
	(pc) =	sbr.rel @p0 .LBB2_8-.Ltmp4, $4  }
0x208: {  	[hbm4b:s1+s4] =	stream.linear.scatter [tilespmem:s14], [sflag:$0x8], $0x4000, $0x38;
	[tilespmem:$0x10600] =	vst v63  }
0x209: {  	_ =	swait.ge [sflag:s29], $0x4000  }
0x20a: {  	[sflag:s29] =	ssyncset.done $0x0  }
0x20b: {  	[sflag:s29] =	ssyncadd.s32 $0xFFFFC000  }
0x20c: {  	_ =	sdelay $0x2  }
0x20d: {  	v6 =	vld [tilespmem:s31+$0x0]  }
0x20e: {  	v7 =	vld.idx.msk [tilespmem:v0+s4+$0x0], $0xffff;
	_ =	sdelay $0x4  }
0x20f: {  	vm1 =	vlt.s32 v7, v6  }
0x210: {  	v7 =	vsel vm1, $0x300, v2;
	_ =	sdelay $0x4  }
0x211: {  	v8 =	vld.idx.msk [tilespmem:v7+s4+$0x0], $0xffff;
	_ =	sdelay $0x4  }
0x212: {  	v9 =	vsel vm1, $0x400, v0;
	vm2 =	vlt.s32 v8, v6  }
0x213: {  	v48 =	vsel vm1, $0x201, v1;
	v10 =	vor.u32 $0x1, v7;
	v7 =	vsel vm2, v9, v7  }
0x214: {  	v8 =	vsel vm2, v10, v48;
	v9 =	vadd.s32 $0xFFFFFFFF, v7  }
0x215: {  	v10 =	vxor.u32 v9, v8  }
0x216: {  	v9 =	vor.u32 v9, v8;
	v10 =	vshrl.u32 v10, $0x1  }
0x217: {  	v9 =	vsub.s32 v9, v10;
	_ =	sdelay $0x4  }
0x218: {  	v10 =	vld.idx.msk [tilespmem:v9+s4+$0x0], $0xffff;
	_ =	sdelay $0x4  }
0x219: {  	v49 =	vor.u32 $0x1, v9;
	vm1 =	vlt.s32 v10, v6  }
0x21a: {  	v8 =	vsel vm1, v49, v8;
	v7 =	vsel vm1, v7, v9  }
0x21b: {  	v9 =	vxor.u32 v8, v7  }
0x21c: {  	v10 =	vand.u32 v8, v7;
	v9 =	vshrl.u32 v9, $0x1  }
0x21d: {  	v9 =	vadd.s32 v9, v10;
	_ =	sdelay $0x4  }
0x21e: {  	v10 =	vld.idx.msk [tilespmem:v9+s4+$0x0], $0xffff;
	_ =	sdelay $0x4  }
0x21f: {  	v50 =	vadd.s32 $0x1, v9;
	vm1 =	vlt.s32 v10, v6  }
0x220: {  	v8 =	vsel vm1, v50, v8;
	v7 =	vsel vm1, v7, v9  }
0x221: {  	v9 =	vadd.s32 v8, v7  }
0x222: {  	v9 =	vshrl.u32 v9, $0x1;
	_ =	sdelay $0x4  }
0x223: {  	v51 =	vld.idx.msk [tilespmem:v9+s4+$0x0], $0xffff;
	_ =	sdelay $0x4  }
0x224: {  	v52 =	vadd.s32 $0x1, v9;
	vm1 =	vlt.s32 v51, v6  }
0x225: {  	v8 =	vsel vm1, v52, v8;
	v7 =	vsel vm1, v7, v9  }
0x226: {  	v9 =	vadd.s32 v8, v7  }
0x227: {  	v9 =	vshrl.u32 v9, $0x1;
	_ =	sdelay $0x4  }
0x228: {  	v53 =	vld.idx.msk [tilespmem:v9+s4+$0x0], $0xffff;
	_ =	sdelay $0x4  }
0x229: {  	v54 =	vadd.s32 $0x1, v9;
	vm1 =	vlt.s32 v53, v6  }
0x22a: {  	v8 =	vsel vm1, v54, v8;
	v7 =	vsel vm1, v7, v9  }
0x22b: {  	v9 =	vadd.s32 v8, v7  }
0x22c: {  	v9 =	vshrl.u32 v9, $0x1;
	_ =	sdelay $0x4  }
0x22d: {  	v55 =	vld.idx.msk [tilespmem:v9+s4+$0x0], $0xffff;
	_ =	sdelay $0x4  }
0x22e: {  	v56 =	vadd.s32 $0x1, v9;
	vm1 =	vlt.s32 v55, v6  }
0x22f: {  	v8 =	vsel vm1, v56, v8;
	v7 =	vsel vm1, v7, v9  }
0x230: {  	v9 =	vadd.s32 v8, v7  }
0x231: {  	v9 =	vshrl.u32 v9, $0x1;
	_ =	sdelay $0x4  }
0x232: {  	v57 =	vld.idx.msk [tilespmem:v9+s4+$0x0], $0xffff;
	_ =	sdelay $0x4  }
0x233: {  	v58 =	vadd.s32 $0x1, v9;
	vm1 =	vlt.s32 v57, v6  }
0x234: {  	v8 =	vsel vm1, v58, v8;
	v7 =	vsel vm1, v7, v9  }
0x235: {  	v9 =	vadd.s32 v8, v7  }
0x236: {  	v9 =	vshrl.u32 v9, $0x1;
	_ =	sdelay $0x4  }
0x237: {  	v59 =	vld.idx.msk [tilespmem:v9+s4+$0x0], $0xffff;
	_ =	sdelay $0x4  }
0x238: {  	v60 =	vadd.s32 $0x1, v9;
	vm1 =	vlt.s32 v59, v6  }
0x239: {  	v8 =	vsel vm1, v60, v8;
	v7 =	vsel vm1, v7, v9  }
0x23a: {  	v9 =	vadd.s32 v8, v7  }
0x23b: {  	v9 =	vshrl.u32 v9, $0x1;
	_ =	sdelay $0x4  }
0x23c: {  	v61 =	vld.idx.msk [tilespmem:v9+s4+$0x0], $0xffff;
	_ =	sdelay $0x4  }
0x23d: {  	v62 =	vadd.s32 $0x1, v9;
	vm1 =	vlt.s32 v61, v6  }
0x23e: {  	v8 =	vsel vm1, v62, v8;
	v7 =	vsel vm1, v7, v9  }
0x23f: {  	v7 =	vadd.s32 v8, v7  }
0x240: {  	v7 =	vshrl.u32 v7, $0x1;
	_ =	sdelay $0x4  }
0x241: {  	v63 =	vld.idx.msk [tilespmem:v7+s4+$0x0], $0xffff;
	_ =	sdelay $0x4  }
0x242: {  	vm1 =	vlt.s32 v63, v6;
	v6 =	vadd.s32 $0x1, v7  }
0x243: {  	v6 =	vsel vm1, v6, v8  }
0x244: {  	v7 =	vshll.u32 v6, $0x3  }
0x245: {  	v8 =	vand.u32 $0x7, v6;
	v7 =	vand.u32 $0x7FFFFFC0, v7  }
0x246: {  	v7 =	vor.u32 v8, v7  }
0x247: {  	v8 =	vperm.xlane v7, v3;
	_ =	sdelay $0x1  }
0x248: {  	v8 =	vadd.s32 v4, v8;
	_ =	sdelay $0x3  }
0x249: {  	[tilespmem:s31+$0x0] =	vst v6  }
0x24a: {  	[tilespmem:s30], [sflag:$0x3] =	stream.indirect_vreg.gather [hbm4b:s3+s4], $0x80, v8, vm0, $0xb8;
	[tilespmem:$0x10600] =	vst v63  }
0x24b: {  	s1 =	simm.s32 $0x8E00;
	v6 =	vperm.xlane v7, v5  }
0x24c: {  	[tilespmem:s1], [sflag:$0x3] =	stream.indirect_vreg.gather [hbm4b:s6+s4], $0x80, v8, vm0, $0xb8;
	[tilespmem:$0x10600] =	vst v63  }
0x24d: {  	s2 =	simm.s32 $0x9600;
	v6 =	vadd.s32 v4, v6  }
0x24e: {  	[tilespmem:s2], [sflag:$0x3] =	stream.indirect_vreg.gather [hbm4b:s7+s4], $0x80, v8, vm0, $0xb8;
	[tilespmem:$0x10600] =	vst v63  }
0x24f: {  	s2 =	simm.s32 $0x9E00  }
0x250: {  	[tilespmem:s2], [sflag:$0x3] =	stream.indirect_vreg.gather [hbm4b:s8+s4], $0x80, v8, vm0, $0xb8;
	[tilespmem:$0x10600] =	vst v63  }
0x251: {  	s2 =	simm.s32 $0xA600  }
0x252: {  	[tilespmem:s2], [sflag:$0x3] =	stream.indirect_vreg.gather [hbm4b:s3+s4], $0x80, v6, vm0, $0xb8;
	[tilespmem:$0x10600] =	vst v63  }
0x253: {  	_ = 	snop  }
0x254: {  	[tilespmem:s12], [sflag:$0x3] =	stream.indirect_vreg.gather [hbm4b:s6+s4], $0x80, v6, vm0, $0xb8;
	[tilespmem:$0x10600] =	vst v63  }
.Ltmp5:
0x255: {  	_ = 	snop;
	(pc) =	sbr.rel .LBB2_2-.Ltmp5, $4  }
0x256: {  	_ = 	snop  }
0x257: {  	[tilespmem:s5], [sflag:$0x3] =	stream.indirect_vreg.gather [hbm4b:s7+s4], $0x80, v6, vm0, $0xb8;
	[tilespmem:$0x10600] =	vst v63  }
0x258: {  	s0 =	sadd.s32 $0x2000, s0;
	s31 =	sadd.s32 $0x40, s31  }
0x259: {  	[tilespmem:s9], [sflag:$0x3] =	stream.indirect_vreg.gather [hbm4b:s8+s4], $0x80, v6, vm0, $0xb8;
	[tilespmem:$0x10600] =	vst v63  }
.LBB2_9:
0x25a: {  	_ =	sfence.sel $0x180000  }
0x25b: {  	[bflag:$0x0] =	sbarrier.arrive $0xFFFF  }
0x25c: {  	_ =	strace $0x90000047  }
0x25d: {  	s0 =	stileid.u32;
	[bflag:$0x2] =	sbarrier.arrive $0xFFFF  }
0x25e: {  	p0 =	sne.s32 s0, $0x0;
	s0 =	rddreg [dreg:$0x4]  }
0x25f: {  	s0 =	sadd.s32 @!p0 $0x100000, s0  }
0x260: {  	[sflag:s0] =	ssyncadd.tile.s32 @!p0 $0x1;
	_ =	shalt  }
.Lfunc_end2:
_tile_overlayer_lowered:
.L_overlay_start_2:
0x261: {  	(tag) =	ssettag $0x2  }
0x262: {  	s0 =	rddreg [dreg:$0x0];
	s2 =	stileid.u32  }
0x263: {  	s1 =	rddreg [dreg:$0x1];
	p0 =	sne.s32 s2, $0x0  }
0x264: {  	s3 =	rddreg [dreg:$0x2];
	[bflag:$0x3] =	sbarrier.arrive $0xFFFF;
	s2 =	simm.s32 @!p0 $0x1C09  }
0x265: {  	[timem:s3], [sflag:s2] =	dma.local @!p0 [hbm:s0], s1  }
0x266: {  	s0 =	simm.s32 @!p0 $0x9  }
0x267: {  	_ =	swait.ge @!p0 [sflag:s0], s1  }
0x268: {  	s1 =	ssub.s32 @!p0 $0x0, s1;
	[sflag:s0] =	ssyncset.done @!p0 $0x0  }
0x269: {  	[sflag:s0] =	ssyncadd.s32 @!p0 s1  }
0x26a: {  	[bflag:$0x3] =	sbarrier.arrive $0xFFFF  }
0x26b: {  	_ =	shalt  }

</sc_bundles>
